<compile_context>
chip_gen: v7x
topology: tpu7x:2x2x1
jax: 0.10.2.dev20260603
libtpu: 0.0.44.dev20260713+nightly
codegen_flags: <defaults>
</compile_context>

<pallas_src>
import dataclasses
import functools

import jax
import jax.numpy as jnp
from jax import lax
from jax.experimental import pallas as pl
from jax.experimental.pallas import tpu as pltpu
from jax.experimental.pallas import tpu_sc as plsc

_L = 16
_NC, _NS = 2, 16
_NW = _NC * _NS
_W = 32
_RING = 2


def _lse_body(tab_ref, lse_ref):
    x = tab_ref[...]
    m = jnp.max(x, axis=1, keepdims=True)
    s = jnp.sum(jnp.exp(x - m), axis=1, keepdims=True)
    lse_ref[...] = jnp.log(s) + m


def _loss_body(n, part_ref, loss_ref):
    loss_ref[...] = (jnp.sum(part_ref[...]) / jnp.float32(n)).reshape(1, 1)


@functools.lru_cache(maxsize=None)
def _make_sc_main(n, v):
    mesh = plsc.VectorSubcoreMesh(core_axis_name="c", subcore_axis_name="s")
    cp = pltpu.CompilerParams()
    for _f, _v in (("needs_layout_passes", False),
                   ("use_tc_tiling_on_sc", True)):
        if _f in pltpu.CompilerParams.__dataclass_fields__:
            cp = dataclasses.replace(cp, **{_f: _v})

    ni = n // _NW
    steps = ni // _W
    assert steps % _RING == 0

    @functools.partial(
        pl.kernel,
        compiler_params=cp,
        out_type=[
            jax.ShapeDtypeStruct((n, 1024), jnp.float32),
            jax.ShapeDtypeStruct((_NW, 128), jnp.float32),
        ],
        mesh=mesh,
        scratch_types=[
            pltpu.VMEM((ni,), jnp.int32),
            pltpu.VMEM((ni,), jnp.int32),
            pltpu.VMEM((1024,), jnp.float32),
            pltpu.VMEM((128,), jnp.float32),
            pltpu.VMEM((_W, 1024), jnp.float32),
            pltpu.VMEM((_W, 1024), jnp.float32),
            pltpu.SemaphoreType.DMA,
            pltpu.SemaphoreType.DMA,
            pltpu.SemaphoreType.DMA,
            pltpu.SemaphoreType.DMA,
        ],
    )
    def sc_main(table_hbm, idx_hbm, tgt_hbm, lse_hbm, out_hbm,
                part_hbm, idx_v, tgt_v, lse_v, acc_v, buf0, buf1,
                sem0, sem1, gsem0, gsem1):
        wid = lax.axis_index("s") * _NC + lax.axis_index("c")
        base = wid * ni
        pltpu.sync_copy(idx_hbm.at[pl.ds(base, ni)], idx_v)
        pltpu.sync_copy(tgt_hbm.at[pl.ds(base, ni)], tgt_v)
        pltpu.sync_copy(lse_hbm, lse_v)

        @pl.loop(0, 128, step=_L)
        def _(j):
            acc_v[pl.ds(j, _L)] = jnp.zeros((_L,), jnp.float32)

        bufs = (buf0, buf1)
        wsems = (sem0, sem1)
        gsems = (gsem0, gsem1)

        pltpu.async_copy(
            table_hbm.at[idx_v.at[pl.ds(0, _W)]], buf0, gsem0)

        @pl.loop(0, steps // _RING)
        def _(g):
            for b in range(_RING):
                step = g * _RING + b
                buf, wsem, gsem = bufs[b], wsems[b], gsems[b]
                b1 = 1 - b
                nbuf, nwsem, ngsem = bufs[b1], wsems[b1], gsems[b1]

                def _advance(step=step, nbuf=nbuf, nwsem=nwsem,
                             ngsem=ngsem, drain=True):
                    if drain:
                        pltpu.make_async_copy(
                            nbuf,
                            out_hbm.at[pl.ds(base + (step - 1) * _W, _W)],
                            nwsem,
                        ).wait()
                    pltpu.async_copy(
                        table_hbm.at[idx_v.at[pl.ds((step + 1) * _W, _W)]],
                        nbuf, ngsem)

                if b == 0:
                    @pl.when(g > 0)
                    def _():
                        _advance()

                    @pl.when(g == 0)
                    def _():
                        _advance(drain=False)
                else:
                    @pl.when(g < steps // _RING - 1)
                    def _():
                        _advance()

                pltpu.make_async_copy(
                    table_hbm.at[idx_v.at[pl.ds(step * _W, _W)]], buf, gsem
                ).wait()

                @pl.loop(0, _W, step=_L)
                def _(j):
                    rvec = j + lax.iota(jnp.int32, _L)
                    ivec = idx_v[pl.ds(step * _W + j, _L)]
                    tvec = tgt_v[pl.ds(step * _W + j, _L)]
                    lse_vals = plsc.load_gather(lse_v, [ivec])
                    elems = plsc.load_gather(buf, [rvec, tvec])
                    acc_v[pl.ds(0, _L)] = (
                        acc_v[pl.ds(0, _L)] + lse_vals - elems)

                pltpu.async_copy(
                    buf, out_hbm.at[pl.ds(base + step * _W, _W)], wsem)

        for b in range(_RING):
            pltpu.make_async_copy(
                bufs[b],
                out_hbm.at[pl.ds(base + (steps - _RING + b) * _W, _W)],
                wsems[b],
            ).wait()

        pltpu.sync_copy(acc_v, part_hbm.at[wid])

    return sc_main


def kernel(idx, targets, table):
    b, t = idx.shape
    v = table.shape[0]
    n = b * t
    idx_f = idx.reshape(n).astype(jnp.int32)
    tgt_f = targets.reshape(n).astype(jnp.int32)

    lse = pl.pallas_call(
        _lse_body,
        out_shape=jax.ShapeDtypeStruct((v, 1), jnp.float32),
    )(table)
    lse_p = jnp.pad(lse.reshape(v), (0, 1024 - v))
    table_p = jnp.pad(table, ((0, 0), (0, 1024 - v)))

    logits_p, partials = _make_sc_main(n, v)(table_p, idx_f, tgt_f, lse_p)
    logits = logits_p[:, :v]

    loss = pl.pallas_call(
        functools.partial(_loss_body, n),
        out_shape=jax.ShapeDtypeStruct((1, 1), jnp.float32),
    )(partials)

    return loss[0, 0], logits

# --- scband reference (transcript-rebuilt; emitter-appended) ---
"""Pipeline reference for scband-biagram-language-model-23106924053249 (READ-ONLY COPY).

The authoritative reference and input builder live on the scoring server;
editing this copy changes nothing except your own understanding.
"""

import jax, jax.numpy as jnp
import numpy as np

V = 1000
B = 1024
T = 200

def setup_inputs(seed: int = 0) -> dict:
    key = jax.random.key(seed)
    k1, k2, k3 = jax.random.split(key, 3)
    idx = jax.random.randint(k1, (B, T), 0, V)
    targets = jax.random.randint(k2, (B, T), 0, V)
    table = jax.random.normal(k3, (V, V), dtype=jnp.float32)
    return {"idx": idx, "targets": targets, "table": table}

def reference(idx, targets, table):
    # logits = self.token_embedding(idx)
    logits = jnp.take(table, idx, axis=0)  # [B, T, V]
    Bc, Tc, C = logits.shape
    logits = logits.reshape(-1, C)          # view(-1, C)
    t = targets.reshape(-1)                 # view(-1)
    # F.cross_entropy(logits, targets) == mean NLL of log_softmax
    logp = jax.nn.log_softmax(logits, axis=-1)
    nll = -jnp.take_along_axis(logp, t[:, None], axis=1)[:, 0]
    loss = jnp.mean(nll)
    return (loss, logits)

if __name__ == "__main__":
    import jax
    _d = setup_inputs()
    print(jax.jit(kernel)(*tuple(_d.values())))

</pallas_src>

<mosaic_0001>
#map = affine_map<(d0, d1) -> (0, 0)>
#map1 = affine_map<(d0, d1) -> (0)>
module attributes {stable_mosaic.version = 14 : i64} {
  func.func @sc_main(%arg0: i32, %arg1: i32, %arg2: memref<1000x1024xf32, #tpu.memory_space<hbm>>, %arg3: memref<204800xi32, #tpu.memory_space<hbm>>, %arg4: memref<204800xi32, #tpu.memory_space<hbm>>, %arg5: memref<1024xf32, #tpu.memory_space<hbm>>, %arg6: memref<204800x1024xf32, #tpu.memory_space<hbm>>, %arg7: memref<32x128xf32, #tpu.memory_space<hbm>>, %arg8: memref<6400xi32, #tpu.memory_space<vmem>>, %arg9: memref<6400xi32, #tpu.memory_space<vmem>>, %arg10: memref<1024xf32, #tpu.memory_space<vmem>>, %arg11: memref<128xf32, #tpu.memory_space<vmem>>, %arg12: memref<32x1024xf32, #tpu.memory_space<vmem>>, %arg13: memref<32x1024xf32, #tpu.memory_space<vmem>>, %arg14: memref<!tpu.dma_semaphore, #tpu.memory_space<semaphore_mem>>, %arg15: memref<!tpu.dma_semaphore, #tpu.memory_space<semaphore_mem>>, %arg16: memref<!tpu.dma_semaphore, #tpu.memory_space<semaphore_mem>>, %arg17: memref<!tpu.dma_semaphore, #tpu.memory_space<semaphore_mem>>) attributes {dimension_semantics = [#tpu.dimension_semantics<core_parallel>, #tpu.dimension_semantics<subcore_parallel>], iteration_bounds = array<i64: 2, 16>, scalar_prefetch = 0 : i64, scratch_operands = 10 : i64, tpu.core_type = #tpu.core_type<sc_vector_subcore>, window_params = [{transform_indices = #map}, {transform_indices = #map1}, {transform_indices = #map1}, {transform_indices = #map1}, {transform_indices = #map}, {transform_indices = #map}]} {
    %mul3A = arith.constant 2 : i32
    %mul3A_0 = arith.muli %arg1, %mul3A : i32
    %add3A = arith.addi %mul3A_0, %arg0 : i32
    %mul3A_1 = arith.constant 6400 : i32
    %mul3A_2 = arith.muli %add3A, %mul3A_1 : i32
    "tpu.region"() ({
      %run_scoped3A = tpu.sem_alloc : memref<!tpu.dma_semaphore, #tpu.memory_space<semaphore_mem>>
      %dma_start3A_27 = tpu.memref_slice %arg3[%mul3A_2] : memref<204800xi32, #tpu.memory_space<hbm>> -> memref<6400xi32, #tpu.memory_space<hbm>>
      %dma_start3A_28 = tpu.memref_slice %arg3[%mul3A_2] : memref<204800xi32, #tpu.memory_space<hbm>> -> memref<6400xi32, #tpu.memory_space<hbm>>
      tpu.enqueue_dma source(%dma_start3A_28 : memref<6400xi32, #tpu.memory_space<hbm>>) target(%arg8 : memref<6400xi32, #tpu.memory_space<vmem>>) target_semaphore(%run_scoped3A : memref<!tpu.dma_semaphore, #tpu.memory_space<semaphore_mem>>)
      %dma_wait3A_29 = tpu.memref_slice %arg3[%mul3A_2] : memref<204800xi32, #tpu.memory_space<hbm>> -> memref<6400xi32, #tpu.memory_space<hbm>>
      %dma_wait3A_30 = tpu.memref_slice %arg3[%mul3A_2] : memref<204800xi32, #tpu.memory_space<hbm>> -> memref<6400xi32, #tpu.memory_space<hbm>>
      tpu.wait_dma2 semaphore(%run_scoped3A : memref<!tpu.dma_semaphore, #tpu.memory_space<semaphore_mem>>) src(%dma_wait3A_30 : memref<6400xi32, #tpu.memory_space<hbm>>) dst(%arg8 : memref<6400xi32, #tpu.memory_space<vmem>>)
      tpu.yield
    }) : () -> ()
    "tpu.region"() ({
      %run_scoped3A = tpu.sem_alloc : memref<!tpu.dma_semaphore, #tpu.memory_space<semaphore_mem>>
      %dma_start3A_27 = tpu.memref_slice %arg4[%mul3A_2] : memref<204800xi32, #tpu.memory_space<hbm>> -> memref<6400xi32, #tpu.memory_space<hbm>>
      %dma_start3A_28 = tpu.memref_slice %arg4[%mul3A_2] : memref<204800xi32, #tpu.memory_space<hbm>> -> memref<6400xi32, #tpu.memory_space<hbm>>
      tpu.enqueue_dma source(%dma_start3A_28 : memref<6400xi32, #tpu.memory_space<hbm>>) target(%arg9 : memref<6400xi32, #tpu.memory_space<vmem>>) target_semaphore(%run_scoped3A : memref<!tpu.dma_semaphore, #tpu.memory_space<semaphore_mem>>)
      %dma_wait3A_29 = tpu.memref_slice %arg4[%mul3A_2] : memref<204800xi32, #tpu.memory_space<hbm>> -> memref<6400xi32, #tpu.memory_space<hbm>>
      %dma_wait3A_30 = tpu.memref_slice %arg4[%mul3A_2] : memref<204800xi32, #tpu.memory_space<hbm>> -> memref<6400xi32, #tpu.memory_space<hbm>>
      tpu.wait_dma2 semaphore(%run_scoped3A : memref<!tpu.dma_semaphore, #tpu.memory_space<semaphore_mem>>) src(%dma_wait3A_30 : memref<6400xi32, #tpu.memory_space<hbm>>) dst(%arg9 : memref<6400xi32, #tpu.memory_space<vmem>>)
      tpu.yield
    }) : () -> ()
    "tpu.region"() ({
      %run_scoped3A = tpu.sem_alloc : memref<!tpu.dma_semaphore, #tpu.memory_space<semaphore_mem>>
      tpu.enqueue_dma source(%arg5 : memref<1024xf32, #tpu.memory_space<hbm>>) target(%arg10 : memref<1024xf32, #tpu.memory_space<vmem>>) target_semaphore(%run_scoped3A : memref<!tpu.dma_semaphore, #tpu.memory_space<semaphore_mem>>)
      tpu.wait_dma2 semaphore(%run_scoped3A : memref<!tpu.dma_semaphore, #tpu.memory_space<semaphore_mem>>) src(%arg5 : memref<1024xf32, #tpu.memory_space<hbm>>) dst(%arg10 : memref<1024xf32, #tpu.memory_space<vmem>>)
      tpu.yield
    }) : () -> ()
    %scan3A = arith.constant 0 : i32
    %scan3A_3 = arith.constant 8 : i32
    %scan3A_4 = arith.addi %scan3A, %scan3A_3 : i32
    %scan3A_5 = arith.constant 1 : i32
    scf.for %scan3A_27 = %scan3A to %scan3A_4 step %scan3A_5  : i32 {
      %mul3A_28 = arith.constant 16 : i32
      %mul3A_29 = arith.muli %scan3A_27, %mul3A_28 : i32
      %add3A_30 = arith.constant 0 : i32
      %add3A_31 = arith.addi %add3A_30, %mul3A_29 : i32
      %broadcast_in_dim3A = arith.constant 0.000000e+00 : f32
      %broadcast_in_dim3A_32 = vector.broadcast %broadcast_in_dim3A : f32 to vector<16xf32>
      %swap3A = arith.index_cast %add3A_31 : i32 to index
      %swap3A_33 = tpu.vector_load %arg11[%swap3A] {strides = array<i32>} : memref<128xf32, #tpu.memory_space<vmem>>, vector<16xf32>,
      tpu.vector_store %arg11[%swap3A], %broadcast_in_dim3A_32 {strides = array<i32>} : memref<128xf32, #tpu.memory_space<vmem>>, vector<16xf32>,
    }
    %scan3A_6 = arith.constant 8 : i32
    %dma_start3A = arith.constant 0 : i32
    %dma_start3A_7 = tpu.memref_slice %arg8[%dma_start3A] : memref<6400xi32, #tpu.memory_space<vmem>> -> memref<32xi32, #tpu.memory_space<vmem>>
    %dma_start3A_8 = arith.constant 0 : i32
    %dma_start3A_9 = arith.constant 0 : i32
    %dma_start3A_10 = tpu.memref_slice %arg2[%dma_start3A_8, %dma_start3A_9] : memref<1000x1024xf32, #tpu.memory_space<hbm>> -> memref<1000x1024xf32, #tpu.memory_space<hbm>>
    tpu.enqueue_indirect_dma source(%dma_start3A_10 : memref<1000x1024xf32, #tpu.memory_space<hbm>>) target(%arg12 : memref<32x1024xf32, #tpu.memory_space<vmem>>) offsets(%dma_start3A_7 : memref<32xi32, #tpu.memory_space<vmem>>) semaphore(%arg16 : memref<!tpu.dma_semaphore, #tpu.memory_space<semaphore_mem>>)
    %scan3A_11 = arith.constant 0 : i32
    %scan3A_12 = arith.constant 100 : i32
    %scan3A_13 = arith.addi %scan3A_11, %scan3A_12 : i32
    %scan3A_14 = arith.constant 1 : i32
    scf.for %scan3A_27 = %scan3A_11 to %scan3A_13 step %scan3A_14  : i32 {
      %mul3A_28 = arith.constant 1 : i32
      %mul3A_29 = arith.muli %scan3A_27, %mul3A_28 : i32
      %add3A_30 = arith.constant 0 : i32
      %add3A_31 = arith.addi %add3A_30, %mul3A_29 : i32
      %mul3A_32 = arith.constant 2 : i32
      %mul3A_33 = arith.muli %add3A_31, %mul3A_32 : i32
      %add3A_34 = arith.constant 0 : i32
      %add3A_35 = arith.addi %mul3A_33, %add3A_34 : i32
      %gt3A = arith.constant 0 : i32
      %gt3A_36 = arith.cmpi sgt, %add3A_31, %gt3A : i32
      %convert_element_type3A = arith.extui %gt3A_36 : i1 to i32
      %cond3A = arith.constant 0 : i32
      %cond3A_37 = arith.cmpi ne, %convert_element_type3A, %cond3A : i32
      scf.if %cond3A_37 {
        %sub3A = arith.constant 1 : i32
        %sub3A_86 = arith.subi %add3A_35, %sub3A : i32
        %mul3A_87 = arith.constant 32 : i32
        %mul3A_88 = arith.muli %sub3A_86, %mul3A_87 : i32
        %add3A_89 = arith.addi %mul3A_2, %mul3A_88 : i32
        %dma_wait3A_90 = arith.constant 0 : i32
        %dma_wait3A_91 = tpu.memref_slice %arg6[%add3A_89, %dma_wait3A_90] : memref<204800x1024xf32, #tpu.memory_space<hbm>> -> memref<32x1024xf32, #tpu.memory_space<hbm>>
        %dma_wait3A_92 = arith.constant 0 : i32
        %dma_wait3A_93 = tpu.memref_slice %arg6[%add3A_89, %dma_wait3A_92] : memref<204800x1024xf32, #tpu.memory_space<hbm>> -> memref<32x1024xf32, #tpu.memory_space<hbm>>
        tpu.wait_dma2 semaphore(%arg15 : memref<!tpu.dma_semaphore, #tpu.memory_space<semaphore_mem>>) src(%arg13 : memref<32x1024xf32, #tpu.memory_space<vmem>>) dst(%dma_wait3A_93 : memref<32x1024xf32, #tpu.memory_space<hbm>>)
        %add3A_94 = arith.constant 1 : i32
        %add3A_95 = arith.addi %add3A_35, %add3A_94 : i32
        %mul3A_96 = arith.constant 32 : i32
        %mul3A_97 = arith.muli %add3A_95, %mul3A_96 : i32
        %dma_start3A_98 = tpu.memref_slice %arg8[%mul3A_97] : memref<6400xi32, #tpu.memory_space<vmem>> -> memref<32xi32, #tpu.memory_space<vmem>>
        %dma_start3A_99 = arith.constant 0 : i32
        %dma_start3A_100 = arith.constant 0 : i32
        %dma_start3A_101 = tpu.memref_slice %arg2[%dma_start3A_99, %dma_start3A_100] : memref<1000x1024xf32, #tpu.memory_space<hbm>> -> memref<1000x1024xf32, #tpu.memory_space<hbm>>
        tpu.enqueue_indirect_dma source(%dma_start3A_101 : memref<1000x1024xf32, #tpu.memory_space<hbm>>) target(%arg13 : memref<32x1024xf32, #tpu.memory_space<vmem>>) offsets(%dma_start3A_98 : memref<32xi32, #tpu.memory_space<vmem>>) semaphore(%arg17 : memref<!tpu.dma_semaphore, #tpu.memory_space<semaphore_mem>>)
      } else {
      }
      %eq3A = arith.constant 0 : i32
      %eq3A_38 = arith.cmpi eq, %add3A_31, %eq3A : i32
      %convert_element_type3A_39 = arith.extui %eq3A_38 : i1 to i32
      %cond3A_40 = arith.constant 0 : i32
      %cond3A_41 = arith.cmpi ne, %convert_element_type3A_39, %cond3A_40 : i32
      scf.if %cond3A_41 {
        %add3A_86 = arith.constant 1 : i32
        %add3A_87 = arith.addi %add3A_35, %add3A_86 : i32
        %mul3A_88 = arith.constant 32 : i32
        %mul3A_89 = arith.muli %add3A_87, %mul3A_88 : i32
        %dma_start3A_90 = tpu.memref_slice %arg8[%mul3A_89] : memref<6400xi32, #tpu.memory_space<vmem>> -> memref<32xi32, #tpu.memory_space<vmem>>
        %dma_start3A_91 = arith.constant 0 : i32
        %dma_start3A_92 = arith.constant 0 : i32
        %dma_start3A_93 = tpu.memref_slice %arg2[%dma_start3A_91, %dma_start3A_92] : memref<1000x1024xf32, #tpu.memory_space<hbm>> -> memref<1000x1024xf32, #tpu.memory_space<hbm>>
        tpu.enqueue_indirect_dma source(%dma_start3A_93 : memref<1000x1024xf32, #tpu.memory_space<hbm>>) target(%arg13 : memref<32x1024xf32, #tpu.memory_space<vmem>>) offsets(%dma_start3A_90 : memref<32xi32, #tpu.memory_space<vmem>>) semaphore(%arg17 : memref<!tpu.dma_semaphore, #tpu.memory_space<semaphore_mem>>)
      } else {
      }
      %mul3A_42 = arith.constant 32 : i32
      %mul3A_43 = arith.muli %add3A_35, %mul3A_42 : i32
      %dma_wait3A_44 = tpu.memref_slice %arg8[%mul3A_43] : memref<6400xi32, #tpu.memory_space<vmem>> -> memref<32xi32, #tpu.memory_space<vmem>>
      %dma_wait3A_45 = arith.constant 0 : i32
      %dma_wait3A_46 = arith.constant 0 : i32
      %dma_wait3A_47 = tpu.memref_slice %arg2[%dma_wait3A_45, %dma_wait3A_46] : memref<1000x1024xf32, #tpu.memory_space<hbm>> -> memref<1000x1024xf32, #tpu.memory_space<hbm>>
      tpu.wait_indirect_dma semaphore(%arg16 : memref<!tpu.dma_semaphore, #tpu.memory_space<semaphore_mem>>) src(%dma_wait3A_47 : memref<1000x1024xf32, #tpu.memory_space<hbm>>) dst(%arg12 : memref<32x1024xf32, #tpu.memory_space<vmem>>)
      %scan3A_48 = arith.constant 0 : i32
      %scan3A_49 = arith.constant 2 : i32
      %scan3A_50 = arith.addi %scan3A_48, %scan3A_49 : i32
      %scan3A_51 = arith.constant 1 : i32
      scf.for %scan3A_86 = %scan3A_48 to %scan3A_50 step %scan3A_51  : i32 {
        %mul3A_87 = arith.constant 16 : i32
        %mul3A_88 = arith.muli %scan3A_86, %mul3A_87 : i32
        %add3A_89 = arith.constant 0 : i32
        %add3A_90 = arith.addi %add3A_89, %mul3A_88 : i32
        %iota3A = tpu.iota {dimensions = array<i32: 0>} : vector<16xi32>
        %add3A_91 = vector.broadcast %add3A_90 : i32 to vector<16xi32>
        %add3A_92 = arith.addi %add3A_91, %iota3A : vector<16xi32>
        %mul3A_93 = arith.constant 32 : i32
        %mul3A_94 = arith.muli %add3A_35, %mul3A_93 : i32
        %add3A_95 = arith.addi %mul3A_94, %add3A_90 : i32
        %get3A = arith.index_cast %add3A_95 : i32 to index
        %get3A_96 = tpu.vector_load %arg8[%get3A] {strides = array<i32>} : memref<6400xi32, #tpu.memory_space<vmem>>, vector<16xi32>,
        %mul3A_97 = arith.constant 32 : i32
        %mul3A_98 = arith.muli %add3A_35, %mul3A_97 : i32
        %add3A_99 = arith.addi %mul3A_98, %add3A_90 : i32
        %get3A_100 = arith.index_cast %add3A_99 : i32 to index
        %get3A_101 = tpu.vector_load %arg9[%get3A_100] {strides = array<i32>} : memref<6400xi32, #tpu.memory_space<vmem>>, vector<16xi32>,
        %gather3A = tpu.vector_load_idx %arg10[%get3A_96] : memref<1024xf32, #tpu.memory_space<vmem>>[vector<16xi32>], vector<16xf32>,
        %gather3A_102 = tpu.vector_load_idx %arg12[%add3A_92, %get3A_101] : memref<32x1024xf32, #tpu.memory_space<vmem>>[vector<16xi32>, vector<16xi32>], vector<16xf32>,
        %get3A_103 = arith.constant 0 : index
        %get3A_104 = tpu.vector_load %arg11[%get3A_103] {strides = array<i32>} : memref<128xf32, #tpu.memory_space<vmem>>, vector<16xf32>,
        %add3A_105 = arith.addf %get3A_104, %gather3A : vector<16xf32>
        %sub3A = arith.subf %add3A_105, %gather3A_102 : vector<16xf32>
        %swap3A = arith.constant 0 : index
        %swap3A_106 = tpu.vector_load %arg11[%swap3A] {strides = array<i32>} : memref<128xf32, #tpu.memory_space<vmem>>, vector<16xf32>,
        tpu.vector_store %arg11[%swap3A], %sub3A {strides = array<i32>} : memref<128xf32, #tpu.memory_space<vmem>>, vector<16xf32>,
      }
      %scan3A_52 = arith.constant 2 : i32
      %mul3A_53 = arith.constant 32 : i32
      %mul3A_54 = arith.muli %add3A_35, %mul3A_53 : i32
      %add3A_55 = arith.addi %mul3A_2, %mul3A_54 : i32
      %dma_start3A_56 = arith.constant 0 : i32
      %dma_start3A_57 = tpu.memref_slice %arg6[%add3A_55, %dma_start3A_56] : memref<204800x1024xf32, #tpu.memory_space<hbm>> -> memref<32x1024xf32, #tpu.memory_space<hbm>>
      %dma_start3A_58 = arith.constant 0 : i32
      %dma_start3A_59 = tpu.memref_slice %arg6[%add3A_55, %dma_start3A_58] : memref<204800x1024xf32, #tpu.memory_space<hbm>> -> memref<32x1024xf32, #tpu.memory_space<hbm>>
      tpu.enqueue_dma source(%arg12 : memref<32x1024xf32, #tpu.memory_space<vmem>>) target(%dma_start3A_59 : memref<32x1024xf32, #tpu.memory_space<hbm>>) target_semaphore(%arg14 : memref<!tpu.dma_semaphore, #tpu.memory_space<semaphore_mem>>)
      %mul3A_60 = arith.constant 2 : i32
      %mul3A_61 = arith.muli %add3A_31, %mul3A_60 : i32
      %add3A_62 = arith.constant 1 : i32
      %add3A_63 = arith.addi %mul3A_61, %add3A_62 : i32
      %lt3A = arith.constant 99 : i32
      %lt3A_64 = arith.cmpi slt, %add3A_31, %lt3A : i32
      %convert_element_type3A_65 = arith.extui %lt3A_64 : i1 to i32
      %cond3A_66 = arith.constant 0 : i32
      %cond3A_67 = arith.cmpi ne, %convert_element_type3A_65, %cond3A_66 : i32
      scf.if %cond3A_67 {
        %sub3A = arith.constant 1 : i32
        %sub3A_86 = arith.subi %add3A_63, %sub3A : i32
        %mul3A_87 = arith.constant 32 : i32
        %mul3A_88 = arith.muli %sub3A_86, %mul3A_87 : i32
        %add3A_89 = arith.addi %mul3A_2, %mul3A_88 : i32
        %dma_wait3A_90 = arith.constant 0 : i32
        %dma_wait3A_91 = tpu.memref_slice %arg6[%add3A_89, %dma_wait3A_90] : memref<204800x1024xf32, #tpu.memory_space<hbm>> -> memref<32x1024xf32, #tpu.memory_space<hbm>>
        %dma_wait3A_92 = arith.constant 0 : i32
        %dma_wait3A_93 = tpu.memref_slice %arg6[%add3A_89, %dma_wait3A_92] : memref<204800x1024xf32, #tpu.memory_space<hbm>> -> memref<32x1024xf32, #tpu.memory_space<hbm>>
        tpu.wait_dma2 semaphore(%arg14 : memref<!tpu.dma_semaphore, #tpu.memory_space<semaphore_mem>>) src(%arg12 : memref<32x1024xf32, #tpu.memory_space<vmem>>) dst(%dma_wait3A_93 : memref<32x1024xf32, #tpu.memory_space<hbm>>)
        %add3A_94 = arith.constant 1 : i32
        %add3A_95 = arith.addi %add3A_63, %add3A_94 : i32
        %mul3A_96 = arith.constant 32 : i32
        %mul3A_97 = arith.muli %add3A_95, %mul3A_96 : i32
        %dma_start3A_98 = tpu.memref_slice %arg8[%mul3A_97] : memref<6400xi32, #tpu.memory_space<vmem>> -> memref<32xi32, #tpu.memory_space<vmem>>
        %dma_start3A_99 = arith.constant 0 : i32
        %dma_start3A_100 = arith.constant 0 : i32
        %dma_start3A_101 = tpu.memref_slice %arg2[%dma_start3A_99, %dma_start3A_100] : memref<1000x1024xf32, #tpu.memory_space<hbm>> -> memref<1000x1024xf32, #tpu.memory_space<hbm>>
        tpu.enqueue_indirect_dma source(%dma_start3A_101 : memref<1000x1024xf32, #tpu.memory_space<hbm>>) target(%arg12 : memref<32x1024xf32, #tpu.memory_space<vmem>>) offsets(%dma_start3A_98 : memref<32xi32, #tpu.memory_space<vmem>>) semaphore(%arg16 : memref<!tpu.dma_semaphore, #tpu.memory_space<semaphore_mem>>)
      } else {
      }
      %mul3A_68 = arith.constant 32 : i32
      %mul3A_69 = arith.muli %add3A_63, %mul3A_68 : i32
      %dma_wait3A_70 = tpu.memref_slice %arg8[%mul3A_69] : memref<6400xi32, #tpu.memory_space<vmem>> -> memref<32xi32, #tpu.memory_space<vmem>>
      %dma_wait3A_71 = arith.constant 0 : i32
      %dma_wait3A_72 = arith.constant 0 : i32
      %dma_wait3A_73 = tpu.memref_slice %arg2[%dma_wait3A_71, %dma_wait3A_72] : memref<1000x1024xf32, #tpu.memory_space<hbm>> -> memref<1000x1024xf32, #tpu.memory_space<hbm>>
      tpu.wait_indirect_dma semaphore(%arg17 : memref<!tpu.dma_semaphore, #tpu.memory_space<semaphore_mem>>) src(%dma_wait3A_73 : memref<1000x1024xf32, #tpu.memory_space<hbm>>) dst(%arg13 : memref<32x1024xf32, #tpu.memory_space<vmem>>)
      %scan3A_74 = arith.constant 0 : i32
      %scan3A_75 = arith.constant 2 : i32
      %scan3A_76 = arith.addi %scan3A_74, %scan3A_75 : i32
      %scan3A_77 = arith.constant 1 : i32
      scf.for %scan3A_86 = %scan3A_74 to %scan3A_76 step %scan3A_77  : i32 {
        %mul3A_87 = arith.constant 16 : i32
        %mul3A_88 = arith.muli %scan3A_86, %mul3A_87 : i32
        %add3A_89 = arith.constant 0 : i32
        %add3A_90 = arith.addi %add3A_89, %mul3A_88 : i32
        %iota3A = tpu.iota {dimensions = array<i32: 0>} : vector<16xi32>
        %add3A_91 = vector.broadcast %add3A_90 : i32 to vector<16xi32>
        %add3A_92 = arith.addi %add3A_91, %iota3A : vector<16xi32>
        %mul3A_93 = arith.constant 32 : i32
        %mul3A_94 = arith.muli %add3A_63, %mul3A_93 : i32
        %add3A_95 = arith.addi %mul3A_94, %add3A_90 : i32
        %get3A = arith.index_cast %add3A_95 : i32 to index
        %get3A_96 = tpu.vector_load %arg8[%get3A] {strides = array<i32>} : memref<6400xi32, #tpu.memory_space<vmem>>, vector<16xi32>,
        %mul3A_97 = arith.constant 32 : i32
        %mul3A_98 = arith.muli %add3A_63, %mul3A_97 : i32
        %add3A_99 = arith.addi %mul3A_98, %add3A_90 : i32
        %get3A_100 = arith.index_cast %add3A_99 : i32 to index
        %get3A_101 = tpu.vector_load %arg9[%get3A_100] {strides = array<i32>} : memref<6400xi32, #tpu.memory_space<vmem>>, vector<16xi32>,
        %gather3A = tpu.vector_load_idx %arg10[%get3A_96] : memref<1024xf32, #tpu.memory_space<vmem>>[vector<16xi32>], vector<16xf32>,
        %gather3A_102 = tpu.vector_load_idx %arg13[%add3A_92, %get3A_101] : memref<32x1024xf32, #tpu.memory_space<vmem>>[vector<16xi32>, vector<16xi32>], vector<16xf32>,
        %get3A_103 = arith.constant 0 : index
        %get3A_104 = tpu.vector_load %arg11[%get3A_103] {strides = array<i32>} : memref<128xf32, #tpu.memory_space<vmem>>, vector<16xf32>,
        %add3A_105 = arith.addf %get3A_104, %gather3A : vector<16xf32>
        %sub3A = arith.subf %add3A_105, %gather3A_102 : vector<16xf32>
        %swap3A = arith.constant 0 : index
        %swap3A_106 = tpu.vector_load %arg11[%swap3A] {strides = array<i32>} : memref<128xf32, #tpu.memory_space<vmem>>, vector<16xf32>,
        tpu.vector_store %arg11[%swap3A], %sub3A {strides = array<i32>} : memref<128xf32, #tpu.memory_space<vmem>>, vector<16xf32>,
      }
      %scan3A_78 = arith.constant 2 : i32
      %mul3A_79 = arith.constant 32 : i32
      %mul3A_80 = arith.muli %add3A_63, %mul3A_79 : i32
      %add3A_81 = arith.addi %mul3A_2, %mul3A_80 : i32
      %dma_start3A_82 = arith.constant 0 : i32
      %dma_start3A_83 = tpu.memref_slice %arg6[%add3A_81, %dma_start3A_82] : memref<204800x1024xf32, #tpu.memory_space<hbm>> -> memref<32x1024xf32, #tpu.memory_space<hbm>>
      %dma_start3A_84 = arith.constant 0 : i32
      %dma_start3A_85 = tpu.memref_slice %arg6[%add3A_81, %dma_start3A_84] : memref<204800x1024xf32, #tpu.memory_space<hbm>> -> memref<32x1024xf32, #tpu.memory_space<hbm>>
      tpu.enqueue_dma source(%arg13 : memref<32x1024xf32, #tpu.memory_space<vmem>>) target(%dma_start3A_85 : memref<32x1024xf32, #tpu.memory_space<hbm>>) target_semaphore(%arg15 : memref<!tpu.dma_semaphore, #tpu.memory_space<semaphore_mem>>)
    }
    %scan3A_15 = arith.constant 100 : i32
    %add3A_16 = arith.constant 6336 : i32
    %add3A_17 = arith.addi %mul3A_2, %add3A_16 : i32
    %dma_wait3A = arith.constant 0 : i32
    %dma_wait3A_18 = tpu.memref_slice %arg6[%add3A_17, %dma_wait3A] : memref<204800x1024xf32, #tpu.memory_space<hbm>> -> memref<32x1024xf32, #tpu.memory_space<hbm>>
    %dma_wait3A_19 = arith.constant 0 : i32
    %dma_wait3A_20 = tpu.memref_slice %arg6[%add3A_17, %dma_wait3A_19] : memref<204800x1024xf32, #tpu.memory_space<hbm>> -> memref<32x1024xf32, #tpu.memory_space<hbm>>
    tpu.wait_dma2 semaphore(%arg14 : memref<!tpu.dma_semaphore, #tpu.memory_space<semaphore_mem>>) src(%arg12 : memref<32x1024xf32, #tpu.memory_space<vmem>>) dst(%dma_wait3A_20 : memref<32x1024xf32, #tpu.memory_space<hbm>>)
    %add3A_21 = arith.constant 6368 : i32
    %add3A_22 = arith.addi %mul3A_2, %add3A_21 : i32
    %dma_wait3A_23 = arith.constant 0 : i32
    %dma_wait3A_24 = tpu.memref_slice %arg6[%add3A_22, %dma_wait3A_23] : memref<204800x1024xf32, #tpu.memory_space<hbm>> -> memref<32x1024xf32, #tpu.memory_space<hbm>>
    %dma_wait3A_25 = arith.constant 0 : i32
    %dma_wait3A_26 = tpu.memref_slice %arg6[%add3A_22, %dma_wait3A_25] : memref<204800x1024xf32, #tpu.memory_space<hbm>> -> memref<32x1024xf32, #tpu.memory_space<hbm>>
    tpu.wait_dma2 semaphore(%arg15 : memref<!tpu.dma_semaphore, #tpu.memory_space<semaphore_mem>>) src(%arg13 : memref<32x1024xf32, #tpu.memory_space<vmem>>) dst(%dma_wait3A_26 : memref<32x1024xf32, #tpu.memory_space<hbm>>)
    "tpu.region"() ({
      %run_scoped3A = tpu.sem_alloc : memref<!tpu.dma_semaphore, #tpu.memory_space<semaphore_mem>>
      %dma_start3A_27 = arith.constant 0 : i32
      %dma_start3A_28 = tpu.memref_slice %arg7[%add3A, %dma_start3A_27] : memref<32x128xf32, #tpu.memory_space<hbm>> -> memref<1x128xf32, #tpu.memory_space<hbm>>
      %dma_start3A_29 = tpu.memref_squeeze %dma_start3A_28 : memref<1x128xf32, #tpu.memory_space<hbm>> -> memref<128xf32, #tpu.memory_space<hbm>>
      %dma_start3A_30 = arith.constant 0 : i32
      %dma_start3A_31 = tpu.memref_slice %arg7[%add3A, %dma_start3A_30] : memref<32x128xf32, #tpu.memory_space<hbm>> -> memref<1x128xf32, #tpu.memory_space<hbm>>
      %dma_start3A_32 = tpu.memref_squeeze %dma_start3A_31 : memref<1x128xf32, #tpu.memory_space<hbm>> -> memref<128xf32, #tpu.memory_space<hbm>>
      tpu.enqueue_dma source(%arg11 : memref<128xf32, #tpu.memory_space<vmem>>) target(%dma_start3A_32 : memref<128xf32, #tpu.memory_space<hbm>>) target_semaphore(%run_scoped3A : memref<!tpu.dma_semaphore, #tpu.memory_space<semaphore_mem>>)
      %dma_wait3A_33 = arith.constant 0 : i32
      %dma_wait3A_34 = tpu.memref_slice %arg7[%add3A, %dma_wait3A_33] : memref<32x128xf32, #tpu.memory_space<hbm>> -> memref<1x128xf32, #tpu.memory_space<hbm>>
      %dma_wait3A_35 = tpu.memref_squeeze %dma_wait3A_34 : memref<1x128xf32, #tpu.memory_space<hbm>> -> memref<128xf32, #tpu.memory_space<hbm>>
      %dma_wait3A_36 = arith.constant 0 : i32
      %dma_wait3A_37 = tpu.memref_slice %arg7[%add3A, %dma_wait3A_36] : memref<32x128xf32, #tpu.memory_space<hbm>> -> memref<1x128xf32, #tpu.memory_space<hbm>>
      %dma_wait3A_38 = tpu.memref_squeeze %dma_wait3A_37 : memref<1x128xf32, #tpu.memory_space<hbm>> -> memref<128xf32, #tpu.memory_space<hbm>>
      tpu.wait_dma2 semaphore(%run_scoped3A : memref<!tpu.dma_semaphore, #tpu.memory_space<semaphore_mem>>) src(%arg11 : memref<128xf32, #tpu.memory_space<vmem>>) dst(%dma_wait3A_38 : memref<128xf32, #tpu.memory_space<hbm>>)
      tpu.yield
    }) : () -> ()
    return
  }
}

module attributes {stable_mosaic.version = 14 : i64} {
  func.func @_lse_body(%arg0: memref<1000x1000xf32, #tpu.memory_space<vmem>>, %arg1: memref<1000x1xf32, #tpu.memory_space<vmem>>) attributes {dimension_semantics = [], scalar_prefetch = 0 : i64, scratch_operands = 0 : i64, tpu.core_type = #tpu.core_type<tc>} {
    %get3A = arith.constant 0 : index
    %get3A_0 = arith.constant 0 : index
    %get3A_1 = vector.load %arg0[%get3A, %get3A_0] : memref<1000x1000xf32, #tpu.memory_space<vmem>>, vector<1000x1000xf32>
    %reduce_max3A = arith.constant dense<0xFF800000> : vector<1000xf32>
    %reduce_max3A_2 = vector.multi_reduction <maximumf>, %get3A_1, %reduce_max3A [1] : vector<1000x1000xf32> to vector<1000xf32>
    %broadcast_in_dim3A = vector.shape_cast %reduce_max3A_2 : vector<1000xf32> to vector<1000x1xf32>
    %sub3A = vector.broadcast %broadcast_in_dim3A : vector<1000x1xf32> to vector<1000x1000xf32>
    %sub3A_3 = arith.subf %get3A_1, %sub3A : vector<1000x1000xf32>
    %exp3A = math.exp %sub3A_3 : vector<1000x1000xf32>
    %reduce_sum3A = arith.constant dense<0.000000e+00> : vector<1000xf32>
    %reduce_sum3A_4 = vector.multi_reduction <add>, %exp3A, %reduce_sum3A [1] : vector<1000x1000xf32> to vector<1000xf32>
    %broadcast_in_dim3A_5 = vector.shape_cast %reduce_sum3A_4 : vector<1000xf32> to vector<1000x1xf32>
    %log3A = math.log %broadcast_in_dim3A_5 : vector<1000x1xf32>
    %add3A = arith.addf %log3A, %broadcast_in_dim3A : vector<1000x1xf32>
    %swap3A = arith.constant 0 : index
    %swap3A_6 = arith.constant 0 : index
    %swap3A_7 = vector.load %arg1[%swap3A, %swap3A_6] : memref<1000x1xf32, #tpu.memory_space<vmem>>, vector<1000x1xf32>
    tpu.vector_store %arg1[%swap3A, %swap3A_6], %add3A {strides = array<i32>} : memref<1000x1xf32, #tpu.memory_space<vmem>>, vector<1000x1xf32>,
    return
  }
}

module attributes {stable_mosaic.version = 14 : i64} {
  func.func @_loss_body(%arg0: memref<32x128xf32, #tpu.memory_space<vmem>>, %arg1: memref<1x1xf32, #tpu.memory_space<vmem>>) attributes {dimension_semantics = [], scalar_prefetch = 0 : i64, scratch_operands = 0 : i64, tpu.core_type = #tpu.core_type<tc>} {
    %get3A = arith.constant 0 : index
    %get3A_0 = arith.constant 0 : index
    %get3A_1 = vector.load %arg0[%get3A, %get3A_0] : memref<32x128xf32, #tpu.memory_space<vmem>>, vector<32x128xf32>
    %reduce_sum3A = vector.shape_cast %get3A_1 : vector<32x128xf32> to vector<1x32x128xf32>
    %reduce_sum3A_2 = arith.constant dense<0.000000e+00> : vector<1xf32>
    %reduce_sum3A_3 = vector.multi_reduction <add>, %reduce_sum3A, %reduce_sum3A_2 [1, 2] : vector<1x32x128xf32> to vector<1xf32>
    %reduce_sum3A_4 = vector.shape_cast %reduce_sum3A_3 : vector<1xf32> to vector<1x1x1xf32>
    %reduce_sum3A_5 = vector.extract %reduce_sum3A_4[0, 0, 0] : f32 from vector<1x1x1xf32>
    %div3A = arith.constant 2.048000e+05 : f32
    %div3A_6 = arith.divf %reduce_sum3A_5, %div3A : f32
    %reshape3A = vector.broadcast %div3A_6 : f32 to vector<1x1xf32>
    %swap3A = arith.constant 0 : index
    %swap3A_7 = arith.constant 0 : index
    %swap3A_8 = vector.load %arg1[%swap3A, %swap3A_7] : memref<1x1xf32, #tpu.memory_space<vmem>>, vector<1x1xf32>
    tpu.vector_store %arg1[%swap3A, %swap3A_7], %reshape3A {strides = array<i32>} : memref<1x1xf32, #tpu.memory_space<vmem>>, vector<1x1xf32>,
    return
  }
}

</mosaic_0001>

<sc_bundles>
// kernel: kernel.5.cloned.1.call-start
scs
__scs_entry_jumppad:
0x0: {  	(pc) =	sbr.rel $0x88, $3  }
0x1: {  	(tag) =	ssettag $0x0;
	lr =	simm.s32 $0x1  }
0x2: {  	[smem:$0x3F9E] =	sst lr;
	_ =	strace $0xD0000000  }
0x3: {  	_ = 	snop  }
0x4: {  	_ = 	snop  }
0x5: {  	_ = 	snop  }
0x6: {  	_ = 	snop  }
0x7: {  	_ = 	snop  }
__scs_overlays_trampoline_lowered:
0x8: {  	[smem:$0x3FAD] =	sst s0  }
0x9: {  	[smem:$0x3FAE] =	sst s1  }
0xa: {  	[smem:$0x3FAF] =	sst s2  }
0xb: {  	[smem:$0x3FB0] =	sst s3  }
0xc: {  	[smem:$0x3FB1] =	sst s4  }
0xd: {  	[smem:$0x3FB2] =	sst s5  }
0xe: {  	[smem:$0x3FB3] =	sst s6  }
0xf: {  	[smem:$0x3FB4] =	sst s7  }
0x10: {  	[smem:$0x3FB5] =	sst s8  }
0x11: {  	[smem:$0x3FB6] =	sst s9;
	s0 =	simm.s32 @!p0 $0x0  }
0x12: {  	s1 =	sld [smem:$0x3F9C];
	s0 =	simm.s32 @p0 $0x1  }
0x13: {  	[smem:$0x3FB7] =	sst s0;
	s0 =	simm.s32 @!p1 $0x0  }
0x14: {  	s2 =	sld [smem:$0x3F9B];
	s0 =	simm.s32 @p1 $0x1  }
0x15: {  	[smem:$0x3FB8] =	sst s0;
	s0 =	simm.s32 @!p2 $0x0  }
0x16: {  	s3 =	sld [smem:$0x3FDB];
	s0 =	simm.s32 @p2 $0x1  }
0x17: {  	s4 =	simm.s32 $0x1BF5;
	[smem:$0x3FBA] =	sst s0  }
0x18: {  	s0 =	sld [smem:$0x3F9D];
	_ =	swait.ge [sflag:s4], $0x0  }
0x19: {  	s7 =	sld [smem:$0x3F9E]  }
0x1a: {  	s8 =	sadd.s32 $0xFFFFE003, lr  }
0x1b: {  	s9 =	sadd.s32 $0xFFFFFEF7, lr;
	s5 =	simm.s32 $0xFFFFFFFF;
	p2 =	slt.u32 s8, $0xFFFFF086  }
0x1c: {  	p1 =	slt.u32 s9, $0xF7A;
	s5 =	simm.s32 @!p2 $0x0  }
0x1d: {  	s5 =	simm.s32 @p1 $0x1;
	p0 =	seq.s32 s7, s2  }
0x1e: {  	s7 =	smul.u32 @!p0 $0xF7A, s2;
	p2 =	seq.s32 @!p0 s5, $0x0  }
0x1f: {  	s9 =	smul.u32 $0xF7A, s1;
	s8 =	simm.s32 @!p0 $0x1BF5;
	p2 =	por !p2, p0  }
0x20: {  	[sflag:s8] =	ssyncset.s32 @!p0 $0xFFFFF086;
	s6 =	sadd.s32 @!p0 s3, s7;
	s7 =	simm.s32 @!p0 $0x108  }
0x21: {  	s3 =	sadd.s32 s3, s9;
	s6 =	sadd.s32 @!p0 $0x88, s6;
	s7 =	simm.s32 @p2 $0x1082  }
0x22: {  	[simem:s7], [sflag:s8] =	dma.local @!p0 [hbm:s6], $0xF7A  }
0x23: {  	s9 =	sor.u32 $0xD0000000, s2;
	s6 =	simm.s32 $0x108;
	_ =	swait.ge @!p0 [sflag:s8], $0x0  }
0x24: {  	s3 =	sadd.s32 $0x88, s3;
	s6 =	simm.s32 @!p1 $0x1082;
	[sflag:s4] =	ssyncset.s32 $0xFFFFF086  }
0x25: {  	[simem:s6], [sflag:s4] =	dma.local [hbm:s3], $0xF7A  }
0x26: {  	[smem:$0x3F9E] =	sst s1;
	(tag) =	ssettag s2;
	_ =	strace s9  }
0x27: {  	s1 =	sld [smem:$0x3FAE]  }
0x28: {  	s2 =	sld [smem:$0x3FAF]  }
0x29: {  	s4 =	sld [smem:$0x3FB1]  }
0x2a: {  	p0 =	seq.s32 s5, $0x0;
	s5 =	sld [smem:$0x3FB2]  }
0x2b: {  	s6 =	sld [smem:$0x3FB3]  }
0x2c: {  	s7 =	sld [smem:$0x3FB4]  }
0x2d: {  	s3 =	simm.s32 $0x108;
	s8 =	sld [smem:$0x3FB5]  }
0x2e: {  	s3 =	simm.s32 @!p0 $0x1082;
	s9 =	sld [smem:$0x3FB6]  }
0x2f: {  	lr =	sadd.s32 s0, s3;
	s0 =	sld [smem:$0x3FAD]  }
0x30: {  	s3 =	sld [smem:$0x3FB0]  }
0x31: {  	[smem:$0x3FB9] =	sst s10  }
0x32: {  	s10 =	sld [smem:$0x3FB7];
	_ =	sdelay $0x3  }
0x33: {  	p0 =	seq.s32 s10, $0x1;
	s10 =	sld [smem:$0x3FB9];
	_ =	sdelay $0x3  }
0x34: {  	[smem:$0x3FB9] =	sst s10  }
0x35: {  	s10 =	sld [smem:$0x3FB8];
	_ =	sdelay $0x3  }
0x36: {  	p1 =	seq.s32 s10, $0x1;
	s10 =	sld [smem:$0x3FB9];
	_ =	sdelay $0x3  }
0x37: {  	[smem:$0x3FB9] =	sst s10  }
0x38: {  	s10 =	sld [smem:$0x3FBA]  }
0x39: {  	_ = 	snop;
	(pc) =	sbr.ind lr, $3  }
0x3a: {  	_ = 	snop  }
0x3b: {  	_ = 	snop  }
0x3c: {  	p2 =	seq.s32 s10, $0x1;
	s10 =	sld [smem:$0x3FB9]  }
0x3d: {  	_ =	shalt  }
0x3e: {  	_ =	shalt  }
0x3f: {  	_ =	shalt  }
0x40: {  	_ =	shalt  }
0x41: {  	_ =	shalt  }
0x42: {  	_ =	shalt  }
0x43: {  	_ =	shalt  }
0x44: {  	_ =	shalt  }
0x45: {  	_ =	shalt  }
0x46: {  	_ =	shalt  }
0x47: {  	_ =	shalt  }
0x48: {  	_ =	shalt  }
0x49: {  	_ =	shalt  }
0x4a: {  	_ =	shalt  }
0x4b: {  	_ =	shalt  }
0x4c: {  	_ =	shalt  }
0x4d: {  	_ =	shalt  }
0x4e: {  	_ =	shalt  }
0x4f: {  	_ =	shalt  }
0x50: {  	_ =	shalt  }
0x51: {  	_ =	shalt  }
0x52: {  	_ =	shalt  }
0x53: {  	_ =	shalt  }
0x54: {  	_ =	shalt  }
0x55: {  	_ =	shalt  }
0x56: {  	_ =	shalt  }
0x57: {  	_ =	shalt  }
0x58: {  	_ =	shalt  }
0x59: {  	_ =	shalt  }
0x5a: {  	_ =	shalt  }
0x5b: {  	_ =	shalt  }
0x5c: {  	_ =	shalt  }
0x5d: {  	_ =	shalt  }
0x5e: {  	_ =	shalt  }
0x5f: {  	_ =	shalt  }
0x60: {  	_ =	shalt  }
0x61: {  	_ =	shalt  }
0x62: {  	_ =	shalt  }
0x63: {  	_ =	shalt  }
0x64: {  	_ =	shalt  }
0x65: {  	_ =	shalt  }
0x66: {  	_ =	shalt  }
0x67: {  	_ =	shalt  }
0x68: {  	_ =	shalt  }
0x69: {  	_ =	shalt  }
0x6a: {  	_ =	shalt  }
0x6b: {  	_ =	shalt  }
0x6c: {  	_ =	shalt  }
0x6d: {  	_ =	shalt  }
0x6e: {  	_ =	shalt  }
0x6f: {  	_ =	shalt  }
0x70: {  	_ =	shalt  }
0x71: {  	_ =	shalt  }
0x72: {  	_ =	shalt  }
0x73: {  	_ =	shalt  }
0x74: {  	_ =	shalt  }
0x75: {  	_ =	shalt  }
0x76: {  	_ =	shalt  }
0x77: {  	_ =	shalt  }
0x78: {  	_ =	shalt  }
0x79: {  	_ =	shalt  }
0x7a: {  	_ =	shalt  }
0x7b: {  	_ =	shalt  }
0x7c: {  	_ =	shalt  }
0x7d: {  	_ =	shalt  }
0x7e: {  	_ =	shalt  }
0x7f: {  	_ =	shalt  }
0x80: {  	_ =	shalt  }
0x81: {  	_ =	shalt  }
0x82: {  	_ =	shalt  }
0x83: {  	_ =	shalt  }
0x84: {  	_ =	shalt  }
0x85: {  	_ =	shalt  }
0x86: {  	_ =	shalt  }
0x87: {  	_ =	shalt  }
.Lfunc_end0:
.L_simem_size_0:
called_computation.1_lowered:
.L_overlay_start_0:
0x88: {  	s2 =	sld [smem:$0x3FD9]  }
0x89: {  	s3 =	sld [smem:$0x3FFE];
	_ =	sdelay $0x1  }
0x8a: {  	s1 =	srdreg.scid  }
0x8b: {  	s0 =	sand.u32 $0x1, s1  }
0x8c: {  	s14 =	sshll.u32 s0, $0xA;
	s2 =	sadd.s32 s3, s2  }
0x8d: {  	s2 =	sadd.s32 s2, s14  }
0x8e: {  	[smem:$0x3FC5] =	sst s2  }
0x8f: {  	_ = 	snop  }
0x90: {  	s2 =	sld [smem:$0x3FD0];
	_ =	sdelay $0x2  }
0x91: {  	s15 =	simm.s32 $0xA;
	s4 =	simm.s32 $0x10  }
0x92: {  	[smem:s4], [sflag:s15] =	dma.local [hbm:s2], $0x1  }
0x93: {  	_ =	swait.eq [sflag:s15], $0x1  }
0x94: {  	[sflag:s15] =	ssyncset.done $0x0  }
0x95: {  	[sflag:s15] =	ssyncadd.s32 $0xFFFFFFFF  }
0x96: {  	s16 =	sld [smem:$0x11];
	(tm) =	ssettm $0x1  }
0x97: {  	s17 =	sld [smem:$0x3FFB];
	_ =	sdelay $0x3  }
0x98: {  	_ =	strace s17  }
0x99: {  	s3 =	sld [smem:$0x3FFC];
	_ =	sdelay $0x3  }
0x9a: {  	_ =	strace s3  }
0x9b: {  	s3 =	sld [smem:$0x3FFD];
	_ =	sdelay $0x3  }
0x9c: {  	_ =	strace s3  }
0x9d: {  	_ =	strace $0x8FFFFFFF  }
0x9e: {  	s18 =	sld [smem:$0x3FDB];
	_ =	sdelay $0x1  }
0x9f: {  	s19 =	simm.s32 $_scs_section_size  }
0xa0: {  	s5 =	simm.s32 $_size__tile_overlayer_lowered;
	s6 =	simm.s32 $_tile_overlayer_lowered  }
0xa1: {  	s22 =	simm.s32 $0x1BFF;
	s21 =	sshll.u32 s6, $0x1;
	s3 =	sadd.s32 s19, s18  }
0xa2: {  	s7 =	simm.s32 $0x0;
	s20 =	sshll.u32 s5, $0x1;
	s5 =	sadd.s32 s21, s3  }
0xa3: {  	[timem:s7], [sflag:s22] =	dma.local [hbm:s5], s20  }
0xa4: {  	_ =	swait.ge [sflag:s22], s20  }
0xa5: {  	s4 =	ssub.s32 $0x0, s20;
	[sflag:s22] =	ssyncset.done $0x0  }
0xa6: {  	[sflag:s22] =	ssyncadd.s32 s4;
	_ =	sdelay $0x1  }
0xa7: {  	s23 =	simm.s32 $0x1B8B  }
0xa8: {  	_ =	swait.ge [sflag:s23], $0x1  }
0xa9: {  	[sflag:s23] =	ssyncset.done $0x0  }
0xaa: {  	s25 =	simm.s32 $0x1B8E;
	s24 =	sld [smem:$0x3FFE];
	[sflag:s23] =	ssyncadd.s32 $0xFFFFFFFF  }
0xab: {  	s26 =	simm.s32 $execute0_lowered;
	[smem:$0x3FD2] =	sst s25  }
0xac: {  	s5 =	sshll.u32 s26, $0x1;
	_ =	strace $0x80000046;
	[dreg:$0x1] =	wrdreg $0xFFFFFFFF  }
0xad: {  	s28 =	simm.s32 $_size_execute0_lowered;
	s3 =	sadd.s32 s3, s5;
	[dreg:$0x0] =	wrdreg $0x0  }
0xae: {  	s5 =	sshll.u32 s28, $0x1;
	[dreg:$0x2] =	wrdreg s3  }
0xaf: {  	[dreg:$0x3] =	wrdreg s5  }
0xb0: {  	[dreg:$0x4] =	wrdreg $0xC0  }
0xb1: {  	_ =	task [dreg:s7], $0x5FFFF  }
0xb2: {  	[dreg:$0x1] =	wrdreg $0xFFFFFFFF  }
0xb3: {  	[dreg:$0x0] =	wrdreg $0x60  }
0xb4: {  	[dreg:$0x2] =	wrdreg s16  }
0xb5: {  	[dreg:$0x3] =	wrdreg s24  }
0xb6: {  	[dreg:$0x4] =	wrdreg $0x9  }
0xb7: {  	_ =	task.clear_ibuf [dreg:s7], $0x5FFFF;
	_ =	strace $0x90000046  }
0xb8: {  	s29 =	simm.s32 $0x9;
	_ =	strace $0x80000048  }
0xb9: {  	_ =	swait.ge [sflag:s29], $0x1  }
0xba: {  	[sflag:s29] =	ssyncadd.s32 $0xFFFFFFFF  }
0xbb: {  	_ =	strace $0x90000048  }
0xbc: {  	_ =	sfence  }
0xbd: {  	s30 =	sld [smem:$0x0];
	_ =	sdelay $0x2  }
0xbe: {  	s31 =	sshll.u32 s1, $0xD;
	s1 =	sshrl.u32 s1, $0x2  }
0xbf: {  	s3 =	sand.u32 $0x4000, s31;
	s1 =	sadd.s32 s1, s30  }
0xc0: {  	s0 =	sor.u32 s3, s0;
	s1 =	sshll.u32 s1, $0x11  }
0xc1: {  	s0 =	sor.u32 s1, s0  }
0xc2: {  	s0 =	sadd.s32 $0x8F2B, s0  }
0xc3: {  	[sflag:s0] =	ssyncadd.remote.s32 $0x1  }
0xc4: {  	_ =	sfence.sel $0xFFFF  }
0xc5: {  	[dreg:$0x0] =	wrdreg $0xFFFFFFFF;
	(pc) =	sbr.abs _section_cstart, $3  }
0xc6: {  	[dreg:$0x1] =	wrdreg $0xFFFFFFFF  }
0xc7: {  	_ =	task.clear_ibuf [dreg:s7], $0x2FFFF;
	_ =	strace $0x9FFFFFFF  }
0xc8: {  	(tm) =	ssettm $0x7FFFFFFF  }
0xc9: {  	_ =	shalt  }
tec
execute0_lowered:
.L_overlay_start_1:
0x0: {  	(tag) =	ssettag $0x1  }
0x1: {  	s2 =	rddreg [dreg:$0x0]  }
0x2: {  	s5 =	rddreg [dreg:$0x1];
	s3 =	simm.s32 $0x0  }
0x3: {  	s14 =	simm.s32 $0xBE80;
	[smem:$0x7FF] =	sst s3  }
0x4: {  	s15 =	simm.s32 $0xC680;
	_ =	strace $0x80000047;
	[dreg:$0x3] =	wrdreg s14  }
0x5: {  	s16 =	simm.s32 $0xCE80;
	[dreg:$0x4] =	wrdreg s15  }
0x6: {  	s0 =	srdreg.scid;
	s17 =	simm.s32 $0xD680;
	[dreg:$0x5] =	wrdreg s16  }
0x7: {  	s8 =	stileid.u32;
	s18 =	simm.s32 $0xDE80;
	[dreg:$0x6] =	wrdreg s17  }
0x8: {  	s19 =	simm.s32 $0xE680;
	s20 =	simm.s32 $0xEE80;
	[dreg:$0x7] =	wrdreg s18  }
0x9: {  	s21 =	simm.s32 $0xF680;
	s22 =	simm.s32 $0xFE80;
	[dreg:$0x8] =	wrdreg s19  }
0xa: {  	v3 =	vlaneseq.u32;
	v0 =	vimm.f32 $0.0e+00;
	vm0 =	vmmov $0xffff;
	s23 =	simm.s32 $0x10680;
	s26 =	simm.s32 $0x10E80;
	[dreg:$0x9] =	wrdreg s20  }
0xb: {  	v4 =	vimm.s32 $0x2380;
	vm1 =	vcmask $0x300;
	v5 =	vimm.s32 $0x6380;
	s28 =	simm.s32 $0x11680;
	s29 =	simm.s32 $0x11E80;
	[dreg:$0xa] =	wrdreg s21  }
0xc: {  	vm2 =	vcmask $0x704;
	s30 =	simm.s32 $0x12680;
	s31 =	simm.s32 $0x12E80;
	v2 =	vshrl.u32 v3, $0x3;
	v1 =	vand.u32 $0x7, v3;
	[dreg:$0xb] =	wrdreg s22  }
0xd: {  	s0 =	sand.u32 $0x1, s0;
	s1 =	sshll.u32 s8, $0x1;
	v4 =	vsel vm1, $0x0, v4;
	v5 =	vsel vm1, $0x4000, v5;
	vm1 =	vcmask $0xB08;
	[dreg:$0xc] =	wrdreg s23  }
0xe: {  	s12 =	sadd.s32 $0xD800, s5;
	s9 =	sadd.s32 $0x300, s2;
	v3 =	vor.u32 $0x8, v3;
	v4 =	vsel vm2, $0x80, v4;
	v5 =	vsel vm2, $0x4080, v5;
	[dreg:$0xd] =	wrdreg s26  }
0xf: {  	s1 =	sor.u32 s0, s1;
	s7 =	ssub.s32 $0x2, s0;
	vm2 =	vcmask $0xF0C;
	[dreg:$0xe] =	wrdreg s28;
	v4 =	vsel vm1, $0x100, v4;
	v5 =	vsel vm1, $0x4100, v5  }
0x10: {  	s0 =	smul.u32 $0x640000, s0;
	s14 =	simm.s32 $0x5;
	[dreg:$0xf] =	wrdreg s29;
	vm1 =	vcmask $0x1310;
	v4 =	vsel vm2, $0x180, v4;
	v5 =	vsel vm2, $0x4180, v5  }
0x11: {  	s16 =	simm.s32 $0x3200;
	s17 =	simm.s32 $0x3680;
	[dreg:$0x10] =	wrdreg s30;
	vm2 =	vcmask $0x1714;
	v4 =	vsel vm1, $0x200, v4;
	v5 =	vsel vm1, $0x4200, v5  }
0x12: {  	[dreg:$0x11] =	wrdreg s31;
	s15 =	simm.s32 $0xB680;
	s18 =	simm.s32 $0x3;
	vm1 =	vcmask $0x1B18;
	v4 =	vsel vm2, $0x280, v4;
	v5 =	vsel vm2, $0x4280, v5  }
0x13: {  	s19 =	simm.s32 $0x4;
	s20 =	simm.s32 $0x1;
	s21 =	simm.s32 $0x2;
	vm2 =	vcmask $0x1F1C;
	v4 =	vsel vm1, $0x300, v4;
	v5 =	vsel vm1, $0x4300, v5  }
0x14: {  	s22 =	simm.s32 $0x3600;
	s4 =	smul.u32 $0x320, s1;
	s1 =	sshll.u32 s1, $0x4;
	vm1 =	vcmask $0x2320;
	v4 =	vsel vm2, $0x380, v4;
	v5 =	vsel vm2, $0x4380, v5  }
0x15: {  	s23 =	simm.s32 $0x0;
	s13 =	sshrl.u32 s7, $0x1;
	s1 =	sadd.s32 s1, s5;
	vm2 =	vcmask $0x2724;
	v4 =	vsel vm1, $0x2000, v4;
	v5 =	vsel vm1, $0x6000, v5  }
0x16: {  	s11 =	ssub.s32 s7, s13;
	s13 =	smul.u32 $0xC80000, s8;
	s7 =	sadd.s32 $0x100, s2;
	vm1 =	vcmask $0x2B28;
	v4 =	vsel vm2, $0x2080, v4;
	v5 =	vsel vm2, $0x6080, v5  }
0x17: {  	s8 =	sadd.s32 $0x200, s2;
	s6 =	sadd.s32 s4, s5;
	s4 =	sadd.s32 $0xC00, s5;
	vm2 =	vcmask $0x2F2C;
	v4 =	vsel vm1, $0x2100, v4;
	v5 =	vsel vm1, $0x6100, v5  }
0x18: {  	s10 =	sadd.s32 $0xD600, s1;
	s11 =	smax.u32 s11, $0x1;
	s0 =	sadd.s32 s0, s13;
	vm1 =	vcmask $0x3330;
	v4 =	vsel vm2, $0x2180, v4;
	v5 =	vsel vm2, $0x6180, v5  }
0x19: {  	s1 =	simm.s32 $0xA680;
	s5 =	sadd.s32 $0xE00, s6;
	s13 =	sor.u32 $0x8000, s0;
	vm2 =	vcmask $0x3734;
	v4 =	vsel vm1, $0x2200, v4;
	v5 =	vsel vm1, $0x6200, v5  }
0x1a: {  	s6 =	sadd.s32 $0x7200, s6;
	s0 =	sshrl.u32 s0, $0x3;
	s13 =	sshrl.u32 s13, $0x3;
	vm1 =	vcmask $0x3B38;
	v4 =	vsel vm2, $0x2280, v4;
	v5 =	vsel vm2, $0x6280, v5  }
0x1b: {  	v2 =	vmul.u32 $0x8, v2;
	s24 =	sadd.s32 s0, s12;
	s0 =	simm.s32 $0xAE80;
	s25 =	sadd.s32 s13, s12;
	v4 =	vsel vm1, $0x2300, v4;
	v5 =	vsel vm1, $0x6300, v5  }
.LBB2_1:
0x1c: {  	[tilespmem:s3], [sflag:$0x5] =	stream.linear.gather [hbm4b:s5+s3], $0x1900, $0x38;
	[tilespmem:$0x13680] =	vst v63  }
0x1d: {  	_ =	swait.ge [sflag:s14], $0x1900  }
0x1e: {  	[sflag:s14] =	ssyncset.done $0x0  }
0x1f: {  	s12 =	simm.s32 $0x1900;
	[sflag:s14] =	ssyncadd.s32 $0xFFFFE700  }
0x20: {  	[tilespmem:s12], [sflag:$0x5] =	stream.linear.gather [hbm4b:s6+s3], $0x1900, $0x38;
	[tilespmem:$0x13680] =	vst v63  }
0x21: {  	_ =	swait.ge [sflag:s14], $0x1900  }
0x22: {  	[sflag:s14] =	ssyncset.done $0x0  }
0x23: {  	[sflag:s14] =	ssyncadd.s32 $0xFFFFE700  }
0x24: {  	[tilespmem:s16], [sflag:$0x5] =	stream.linear.gather [hbm4b:s4+s3], $0x400, $0x38;
	[tilespmem:$0x13680] =	vst v63  }
0x25: {  	_ =	swait.ge [sflag:s14], $0x400  }
0x26: {  	[sflag:s14] =	ssyncset.done $0x0  }
0x27: {  	[sflag:s14] =	ssyncadd.s32 $0xFFFFFC00  }
0x28: {  	v6 =	vld [tilespmem:$0x0];
	_ =	sdelay $0x4  }
0x29: {  	v7 =	vshll.u32 v6, $0x3  }
0x2a: {  	v6 =	vand.u32 $0x7, v6;
	v7 =	vand.u32 $0xFFFFFFC0, v7  }
0x2b: {  	[tilespmem:$0x3600] =	vst v0;
	v6 =	vor.u32 v6, v7  }
0x2c: {  	[tilespmem:$0x3610] =	vst v0;
	v7 =	vperm.xlane v6, v1  }
0x2d: {  	[tilespmem:$0x3620] =	vst v0  }
0x2e: {  	[tilespmem:$0x3630] =	vst v0;
	v7 =	vadd.s32 v2, v7  }
0x2f: {  	[tilespmem:$0x3640] =	vst v0  }
0x30: {  	[tilespmem:$0x3650] =	vst v0  }
0x31: {  	[tilespmem:$0x3660] =	vst v0  }
0x32: {  	[tilespmem:$0x3670] =	vst v0  }
0x33: {  	[tilespmem:s17], [sflag:$0x3] =	stream.indirect_vreg.gather [hbm4b:s2+s3], $0x80, v7, vm0, $0xb8;
	[tilespmem:$0x13680] =	vst v63  }
0x34: {  	s31 =	simm.s32 $0x3E80;
	v6 =	vperm.xlane v6, v3  }
0x35: {  	[tilespmem:s31], [sflag:$0x3] =	stream.indirect_vreg.gather [hbm4b:s7+s3], $0x80, v7, vm0, $0xb8;
	[tilespmem:$0x13680] =	vst v63  }
0x36: {  	s13 =	simm.s32 $0x4680;
	v6 =	vadd.s32 v2, v6  }
0x37: {  	[tilespmem:s13], [sflag:$0x3] =	stream.indirect_vreg.gather [hbm4b:s8+s3], $0x80, v7, vm0, $0xb8;
	[tilespmem:$0x13680] =	vst v63  }
0x38: {  	s26 =	simm.s32 $0x4E80  }
0x39: {  	[tilespmem:s26], [sflag:$0x3] =	stream.indirect_vreg.gather [hbm4b:s9+s3], $0x80, v7, vm0, $0xb8;
	[tilespmem:$0x13680] =	vst v63  }
0x3a: {  	s28 =	simm.s32 $0x5680  }
0x3b: {  	[tilespmem:s28], [sflag:$0x3] =	stream.indirect_vreg.gather [hbm4b:s2+s3], $0x80, v6, vm0, $0xb8;
	[tilespmem:$0x13680] =	vst v63  }
0x3c: {  	s29 =	simm.s32 $0x5E80  }
0x3d: {  	[tilespmem:s29], [sflag:$0x3] =	stream.indirect_vreg.gather [hbm4b:s7+s3], $0x80, v6, vm0, $0xb8;
	[tilespmem:$0x13680] =	vst v63  }
0x3e: {  	s30 =	simm.s32 $0x6680  }
0x3f: {  	[tilespmem:s30], [sflag:$0x3] =	stream.indirect_vreg.gather [hbm4b:s8+s3], $0x80, v6, vm0, $0xb8;
	[tilespmem:$0x13680] =	vst v63  }
0x40: {  	s31 =	simm.s32 $0x6E80  }
0x41: {  	[tilespmem:s31], [sflag:$0x3] =	stream.indirect_vreg.gather [hbm4b:s9+s3], $0x80, v6, vm0, $0xb8;
	[tilespmem:$0x13680] =	vst v63  }
0x42: {  	v6 =	vld [tilespmem:$0x10];
	_ =	sdelay $0x4  }
0x43: {  	v7 =	vshll.u32 v6, $0x3  }
0x44: {  	v6 =	vand.u32 $0x7, v6;
	v7 =	vand.u32 $0xFFFFFFC0, v7  }
0x45: {  	v6 =	vor.u32 v6, v7  }
0x46: {  	v7 =	vperm.xlane v6, v1;
	_ =	sdelay $0x1  }
0x47: {  	v7 =	vadd.s32 v2, v7;
	_ =	sdelay $0x3  }
0x48: {  	s13 =	simm.s32 $0x7680  }
0x49: {  	[tilespmem:s13], [sflag:$0x3] =	stream.indirect_vreg.gather [hbm4b:s2+s3], $0x80, v7, vm0, $0xb8;
	[tilespmem:$0x13680] =	vst v63  }
0x4a: {  	s26 =	simm.s32 $0x7E80;
	v6 =	vperm.xlane v6, v3  }
0x4b: {  	[tilespmem:s26], [sflag:$0x3] =	stream.indirect_vreg.gather [hbm4b:s7+s3], $0x80, v7, vm0, $0xb8;
	[tilespmem:$0x13680] =	vst v63  }
0x4c: {  	s28 =	simm.s32 $0x8680;
	v6 =	vadd.s32 v2, v6  }
0x4d: {  	[tilespmem:s28], [sflag:$0x3] =	stream.indirect_vreg.gather [hbm4b:s8+s3], $0x80, v7, vm0, $0xb8;
	[tilespmem:$0x13680] =	vst v63  }
0x4e: {  	s29 =	simm.s32 $0x8E80  }
0x4f: {  	[tilespmem:s29], [sflag:$0x3] =	stream.indirect_vreg.gather [hbm4b:s9+s3], $0x80, v7, vm0, $0xb8;
	[tilespmem:$0x13680] =	vst v63  }
0x50: {  	s30 =	simm.s32 $0x9680  }
0x51: {  	[tilespmem:s30], [sflag:$0x3] =	stream.indirect_vreg.gather [hbm4b:s2+s3], $0x80, v6, vm0, $0xb8;
	[tilespmem:$0x13680] =	vst v63  }
0x52: {  	s31 =	simm.s32 $0x9E80  }
0x53: {  	[tilespmem:s31], [sflag:$0x3] =	stream.indirect_vreg.gather [hbm4b:s7+s3], $0x80, v6, vm0, $0xb8;
	[tilespmem:$0x13680] =	vst v63  }
0x54: {  	_ = 	snop  }
0x55: {  	[tilespmem:s1], [sflag:$0x3] =	stream.indirect_vreg.gather [hbm4b:s8+s3], $0x80, v6, vm0, $0xb8;
	[tilespmem:$0x13680] =	vst v63  }
0x56: {  	s12 =	smov.u32 s25;
	s13 =	smov.u32 s24;
	s26 =	simm.s32 $0x0  }
0x57: {  	[tilespmem:s0], [sflag:$0x3] =	stream.indirect_vreg.gather [hbm4b:s9+s3], $0x80, v6, vm0, $0xb8;
	[tilespmem:$0x13680] =	vst v63  }
.LBB2_2:
0x58: {  	p0 =	seq.s32 s26, $0x0  }
0x59: {  	s28 =	simm.s32 @!p0 $0x2  }
0x5a: {  	_ =	swait.ge @!p0 [sflag:s28], $0x8000  }
0x5b: {  	s29 =	sshra.s32 @!p0 s26, $0x2;
	[sflag:s28] =	ssyncset.done @!p0 $0x0  }
0x5c: {  	s29 =	simm.s32 @p0 $0x0;
	[sflag:s28] =	ssyncadd.s32 @!p0 $0xFFFF8000  }
0x5d: {  	v6 =	vld [tilespmem:s29+$0x20];
	_ =	sdelay $0x4  }
0x5e: {  	v7 =	vshll.u32 v6, $0x3  }
0x5f: {  	v6 =	vand.u32 $0x7, v6;
	v7 =	vand.u32 $0xFFFFFFC0, v7  }
0x60: {  	v6 =	vor.u32 v6, v7  }
0x61: {  	v7 =	vperm.xlane v6, v1;
	_ =	sdelay $0x1  }
0x62: {  	v7 =	vadd.s32 v2, v7;
	_ =	sdelay $0x4  }
0x63: {  	[tilespmem:s15], [sflag:$0x4] =	stream.indirect_vreg.gather [hbm4b:s2+s3], $0x80, v7, vm0, $0xb8;
	[tilespmem:$0x13680] =	vst v63  }
0x64: {  	s31 =	rddreg [dreg:$0x3];
	v6 =	vperm.xlane v6, v3  }
0x65: {  	[tilespmem:s31], [sflag:$0x4] =	stream.indirect_vreg.gather [hbm4b:s7+s3], $0x80, v7, vm0, $0xb8;
	[tilespmem:$0x13680] =	vst v63  }
0x66: {  	s30 =	rddreg [dreg:$0x4];
	v6 =	vadd.s32 v2, v6  }
0x67: {  	[tilespmem:s30], [sflag:$0x4] =	stream.indirect_vreg.gather [hbm4b:s8+s3], $0x80, v7, vm0, $0xb8;
	[tilespmem:$0x13680] =	vst v63  }
0x68: {  	s31 =	rddreg [dreg:$0x5]  }
0x69: {  	[tilespmem:s31], [sflag:$0x4] =	stream.indirect_vreg.gather [hbm4b:s9+s3], $0x80, v7, vm0, $0xb8;
	[tilespmem:$0x13680] =	vst v63  }
0x6a: {  	s30 =	rddreg [dreg:$0x6]  }
0x6b: {  	[tilespmem:s30], [sflag:$0x4] =	stream.indirect_vreg.gather [hbm4b:s2+s3], $0x80, v6, vm0, $0xb8;
	[tilespmem:$0x13680] =	vst v63  }
0x6c: {  	s31 =	rddreg [dreg:$0x7]  }
0x6d: {  	[tilespmem:s31], [sflag:$0x4] =	stream.indirect_vreg.gather [hbm4b:s7+s3], $0x80, v6, vm0, $0xb8;
	[tilespmem:$0x13680] =	vst v63  }
0x6e: {  	s30 =	rddreg [dreg:$0x8]  }
0x6f: {  	[tilespmem:s30], [sflag:$0x4] =	stream.indirect_vreg.gather [hbm4b:s8+s3], $0x80, v6, vm0, $0xb8;
	[tilespmem:$0x13680] =	vst v63  }
0x70: {  	s31 =	rddreg [dreg:$0x9]  }
0x71: {  	[tilespmem:s31], [sflag:$0x4] =	stream.indirect_vreg.gather [hbm4b:s9+s3], $0x80, v6, vm0, $0xb8;
	[tilespmem:$0x13680] =	vst v63  }
0x72: {  	v6 =	vld [tilespmem:s29+$0x30];
	_ =	sdelay $0x4  }
0x73: {  	v7 =	vshll.u32 v6, $0x3  }
0x74: {  	v6 =	vand.u32 $0x7, v6;
	v7 =	vand.u32 $0xFFFFFFC0, v7  }
0x75: {  	v6 =	vor.u32 v6, v7  }
0x76: {  	v7 =	vperm.xlane v6, v1;
	_ =	sdelay $0x1  }
0x77: {  	v7 =	vadd.s32 v2, v7;
	_ =	sdelay $0x3  }
0x78: {  	s30 =	rddreg [dreg:$0xa]  }
0x79: {  	[tilespmem:s30], [sflag:$0x4] =	stream.indirect_vreg.gather [hbm4b:s2+s3], $0x80, v7, vm0, $0xb8;
	[tilespmem:$0x13680] =	vst v63  }
0x7a: {  	s31 =	rddreg [dreg:$0xb];
	v6 =	vperm.xlane v6, v3  }
0x7b: {  	[tilespmem:s31], [sflag:$0x4] =	stream.indirect_vreg.gather [hbm4b:s7+s3], $0x80, v7, vm0, $0xb8;
	[tilespmem:$0x13680] =	vst v63  }
0x7c: {  	v6 =	vadd.s32 v2, v6;
	s30 =	rddreg [dreg:$0xc]  }
0x7d: {  	[tilespmem:s30], [sflag:$0x4] =	stream.indirect_vreg.gather [hbm4b:s8+s3], $0x80, v7, vm0, $0xb8;
	[tilespmem:$0x13680] =	vst v63  }
0x7e: {  	s31 =	rddreg [dreg:$0xd]  }
0x7f: {  	[tilespmem:s31], [sflag:$0x4] =	stream.indirect_vreg.gather [hbm4b:s9+s3], $0x80, v7, vm0, $0xb8;
	[tilespmem:$0x13680] =	vst v63  }
0x80: {  	s30 =	rddreg [dreg:$0xe]  }
0x81: {  	[tilespmem:s30], [sflag:$0x4] =	stream.indirect_vreg.gather [hbm4b:s2+s3], $0x80, v6, vm0, $0xb8;
	[tilespmem:$0x13680] =	vst v63  }
0x82: {  	s31 =	rddreg [dreg:$0xf]  }
0x83: {  	[tilespmem:s31], [sflag:$0x4] =	stream.indirect_vreg.gather [hbm4b:s7+s3], $0x80, v6, vm0, $0xb8;
	[tilespmem:$0x13680] =	vst v63  }
0x84: {  	s30 =	rddreg [dreg:$0x10]  }
0x85: {  	[tilespmem:s30], [sflag:$0x4] =	stream.indirect_vreg.gather [hbm4b:s8+s3], $0x80, v6, vm0, $0xb8;
	[tilespmem:$0x13680] =	vst v63  }
0x86: {  	s31 =	rddreg [dreg:$0x11]  }
0x87: {  	[tilespmem:s31], [sflag:$0x4] =	stream.indirect_vreg.gather [hbm4b:s9+s3], $0x80, v6, vm0, $0xb8;
	[tilespmem:$0x13680] =	vst v63  }
0x88: {  	_ =	swait.ge [sflag:s18], $0x8000  }
0x89: {  	[sflag:s18] =	ssyncset.done $0x0  }
0x8a: {  	s28 =	sshra.s32 s26, $0x2;
	[sflag:s18] =	ssyncadd.s32 $0xFFFF8000  }
0x8b: {  	v6 =	vld [tilespmem:s28+$0x1900];
	_ =	sdelay $0x2  }
0x8c: {  	v7 =	vld [tilespmem:s28+$0x0];
	_ =	sdelay $0x1  }
0x8d: {  	v8 =	vshll.u32 v6, $0x3  }
0x8e: {  	v6 =	vand.u32 $0x7F, v6;
	v8 =	vand.u32 $0xFFFFFC00, v8  }
0x8f: {  	v6 =	vor.u32 v6, v8  }
0x90: {  	v6 =	vadd.s32 v4, v6;
	_ =	sdelay $0x1  }
0x91: {  	v58 =	vld [tilespmem:$0x3600]  }
0x92: {  	v7 =	vld.idx.msk [tilespmem:v7+s16+$0x0], $0xffff;
	_ =	sdelay $0x1  }
0x93: {  	v6 =	vld.idx.msk [tilespmem:v6+s17+$0x0], $0xffff;
	_ =	sdelay $0x2  }
0x94: {  	v7 =	vadd.f32 v58, v7;
	_ =	sdelay $0x1  }
0x95: {  	v6 =	vsub.f32 v7, v6;
	_ =	sdelay $0x1  }
0x96: {  	[tilespmem:$0x3600] =	vst v6  }
0x97: {  	v7 =	vld [tilespmem:s28+$0x1910];
	_ =	sdelay $0x2  }
0x98: {  	v59 =	vld [tilespmem:s28+$0x10];
	_ =	sdelay $0x1  }
0x99: {  	v9 =	vshll.u32 v7, $0x3  }
0x9a: {  	v7 =	vand.u32 $0x7F, v7;
	v9 =	vand.u32 $0xFFFFFC00, v9  }
0x9b: {  	v7 =	vor.u32 v7, v9  }
0x9c: {  	v7 =	vadd.s32 v5, v7;
	_ =	sdelay $0x2  }
0x9d: {  	v8 =	vld.idx.msk [tilespmem:v59+s16+$0x0], $0xffff;
	_ =	sdelay $0x1  }
0x9e: {  	v7 =	vld.idx.msk [tilespmem:v7+s17+$0x0], $0xffff;
	_ =	sdelay $0x2  }
0x9f: {  	v6 =	vadd.f32 v6, v8;
	_ =	sdelay $0x1  }
0xa0: {  	v6 =	vsub.f32 v6, v7  }
0xa1: {  	p0 =	seq.s32 s26, $0x6300  }
0xa2: {  	s29 =	simm.s32 @!p0 $0x1;
	[tilespmem:$0x3600] =	vst v6  }
0xa3: {  	[hbm4b:s13+s3] =	stream.linear.scatter [tilespmem:s17], [sflag:$0x1], $0x8000, $0x38;
	[tilespmem:$0x13680] =	vst v63  }
0xa4: {  	_ =	swait.ge @!p0 [sflag:s29], $0x8000  }
0xa5: {  	[sflag:s29] =	ssyncset.done @!p0 $0x0  }
0xa6: {  	[sflag:s29] =	ssyncadd.s32 @!p0 $0xFFFF8000;
	s29 =	sshra.s32 @!p0 s26, $0x2  }
0xa7: {  	v6 =	vld @!p0 [tilespmem:s29+$0x40];
	_ =	sdelay $0x4  }
0xa8: {  	v7 =	vshll.u32 @!p0 v6, $0x3  }
0xa9: {  	v8 =	vlaneseq.u32 @!p0;
	v6 =	vand.u32 @!p0 $0x7, v6;
	v7 =	vand.u32 @!p0 $0xFFFFFFC0, v7  }
0xaa: {  	v9 =	vshrl.u32 @!p0 v8, $0x3;
	v6 =	vor.u32 @!p0 v6, v7;
	v7 =	vand.u32 @!p0 $0x7, v8  }
0xab: {  	v9 =	vmul.u32 @!p0 $0x8, v9;
	v10 =	vperm.xlane @!p0 v6, v7;
	_ =	sdelay $0x1  }
0xac: {  	v10 =	vadd.s32 @!p0 v9, v10;
	_ =	sdelay $0x3  }
0xad: {  	vm1 =	vmmov @!p0 $0xffff;
	s30 =	simm.s32 @!p0 $0x0;
	s31 =	simm.s32 @!p0 $0x3680  }
0xae: {  	v8 =	vor.u32 @!p0 $0x8, v8;
	[tilespmem:s31], [sflag:$0x3] =	stream.indirect_vreg.gather @!p0 [hbm4b:s2+s30], $0x80, v10, vm1, $0xb8;
	[tilespmem:$0x13680] =	vst v63  }
0xaf: {  	v6 =	vperm.xlane @!p0 v6, v8;
	s31 =	simm.s32 @!p0 $0x3E80  }
0xb0: {  	[tilespmem:s31], [sflag:$0x3] =	stream.indirect_vreg.gather @!p0 [hbm4b:s7+s30], $0x80, v10, vm1, $0xb8;
	[tilespmem:$0x13680] =	vst v63  }
0xb1: {  	v6 =	vadd.s32 @!p0 v9, v6;
	s31 =	simm.s32 @!p0 $0x4680  }
0xb2: {  	[tilespmem:s31], [sflag:$0x3] =	stream.indirect_vreg.gather @!p0 [hbm4b:s8+s30], $0x80, v10, vm1, $0xb8;
	[tilespmem:$0x13680] =	vst v63  }
0xb3: {  	s31 =	simm.s32 @!p0 $0x4E80  }
0xb4: {  	[tilespmem:s31], [sflag:$0x3] =	stream.indirect_vreg.gather @!p0 [hbm4b:s9+s30], $0x80, v10, vm1, $0xb8;
	[tilespmem:$0x13680] =	vst v63  }
0xb5: {  	s31 =	simm.s32 @!p0 $0x5680  }
0xb6: {  	[tilespmem:s31], [sflag:$0x3] =	stream.indirect_vreg.gather @!p0 [hbm4b:s2+s30], $0x80, v6, vm1, $0xb8;
	[tilespmem:$0x13680] =	vst v63  }
0xb7: {  	s31 =	simm.s32 @!p0 $0x5E80  }
0xb8: {  	[tilespmem:s31], [sflag:$0x3] =	stream.indirect_vreg.gather @!p0 [hbm4b:s7+s30], $0x80, v6, vm1, $0xb8;
	[tilespmem:$0x13680] =	vst v63  }
0xb9: {  	s31 =	simm.s32 @!p0 $0x6680  }
0xba: {  	[tilespmem:s31], [sflag:$0x3] =	stream.indirect_vreg.gather @!p0 [hbm4b:s8+s30], $0x80, v6, vm1, $0xb8;
	[tilespmem:$0x13680] =	vst v63  }
0xbb: {  	s31 =	simm.s32 @!p0 $0x6E80  }
0xbc: {  	[tilespmem:s31], [sflag:$0x3] =	stream.indirect_vreg.gather @!p0 [hbm4b:s9+s30], $0x80, v6, vm1, $0xb8;
	[tilespmem:$0x13680] =	vst v63  }
0xbd: {  	v6 =	vld @!p0 [tilespmem:s29+$0x50];
	_ =	sdelay $0x4  }
0xbe: {  	v10 =	vshll.u32 @!p0 v6, $0x3  }
0xbf: {  	v6 =	vand.u32 @!p0 $0x7, v6;
	v10 =	vand.u32 @!p0 $0xFFFFFFC0, v10  }
0xc0: {  	v6 =	vor.u32 @!p0 v6, v10  }
0xc1: {  	v7 =	vperm.xlane @!p0 v6, v7;
	_ =	sdelay $0x1  }
0xc2: {  	v7 =	vadd.s32 @!p0 v9, v7;
	_ =	sdelay $0x3  }
0xc3: {  	s29 =	simm.s32 @!p0 $0x7680  }
0xc4: {  	[tilespmem:s29], [sflag:$0x3] =	stream.indirect_vreg.gather @!p0 [hbm4b:s2+s30], $0x80, v7, vm1, $0xb8;
	[tilespmem:$0x13680] =	vst v63  }
0xc5: {  	v6 =	vperm.xlane @!p0 v6, v8;
	s29 =	simm.s32 @!p0 $0x7E80  }
0xc6: {  	[tilespmem:s29], [sflag:$0x3] =	stream.indirect_vreg.gather @!p0 [hbm4b:s7+s30], $0x80, v7, vm1, $0xb8;
	[tilespmem:$0x13680] =	vst v63  }
0xc7: {  	v6 =	vadd.s32 @!p0 v9, v6;
	s29 =	simm.s32 @!p0 $0x8680  }
0xc8: {  	[tilespmem:s29], [sflag:$0x3] =	stream.indirect_vreg.gather @!p0 [hbm4b:s8+s30], $0x80, v7, vm1, $0xb8;
	[tilespmem:$0x13680] =	vst v63  }
0xc9: {  	s29 =	simm.s32 @!p0 $0x8E80  }
0xca: {  	[tilespmem:s29], [sflag:$0x3] =	stream.indirect_vreg.gather @!p0 [hbm4b:s9+s30], $0x80, v7, vm1, $0xb8;
	[tilespmem:$0x13680] =	vst v63  }
0xcb: {  	s29 =	simm.s32 @!p0 $0x9680  }
0xcc: {  	[tilespmem:s29], [sflag:$0x3] =	stream.indirect_vreg.gather @!p0 [hbm4b:s2+s30], $0x80, v6, vm1, $0xb8;
	[tilespmem:$0x13680] =	vst v63  }
0xcd: {  	s29 =	simm.s32 @!p0 $0x9E80  }
0xce: {  	[tilespmem:s29], [sflag:$0x3] =	stream.indirect_vreg.gather @!p0 [hbm4b:s7+s30], $0x80, v6, vm1, $0xb8;
	[tilespmem:$0x13680] =	vst v63  }
0xcf: {  	s29 =	simm.s32 @!p0 $0xA680  }
0xd0: {  	[tilespmem:s29], [sflag:$0x3] =	stream.indirect_vreg.gather @!p0 [hbm4b:s8+s30], $0x80, v6, vm1, $0xb8;
	[tilespmem:$0x13680] =	vst v63  }
0xd1: {  	s29 =	simm.s32 @!p0 $0xAE80  }
0xd2: {  	[tilespmem:s29], [sflag:$0x3] =	stream.indirect_vreg.gather @!p0 [hbm4b:s9+s30], $0x80, v6, vm1, $0xb8;
	[tilespmem:$0x13680] =	vst v63  }
0xd3: {  	_ =	swait.ge [sflag:s19], $0x8000  }
0xd4: {  	[sflag:s19] =	ssyncset.done $0x0  }
0xd5: {  	[sflag:s19] =	ssyncadd.s32 $0xFFFF8000  }
0xd6: {  	v6 =	vld [tilespmem:s28+$0x1920];
	_ =	sdelay $0x2  }
0xd7: {  	v7 =	vld [tilespmem:s28+$0x20];
	_ =	sdelay $0x1  }
0xd8: {  	v60 =	vshll.u32 v6, $0x3  }
0xd9: {  	v6 =	vand.u32 $0x7F, v6;
	v8 =	vand.u32 $0xFFFFFC00, v60  }
0xda: {  	v6 =	vor.u32 v6, v8  }
0xdb: {  	v6 =	vadd.s32 v4, v6;
	_ =	sdelay $0x1  }
0xdc: {  	v61 =	vld [tilespmem:$0x3600]  }
0xdd: {  	v7 =	vld.idx.msk [tilespmem:v7+s16+$0x0], $0xffff;
	_ =	sdelay $0x1  }
0xde: {  	v6 =	vld.idx.msk [tilespmem:v6+s15+$0x0], $0xffff;
	_ =	sdelay $0x2  }
0xdf: {  	v7 =	vadd.f32 v61, v7;
	_ =	sdelay $0x1  }
0xe0: {  	v6 =	vsub.f32 v7, v6;
	_ =	sdelay $0x1  }
0xe1: {  	[tilespmem:$0x3600] =	vst v6  }
0xe2: {  	v7 =	vld [tilespmem:s28+$0x1930];
	_ =	sdelay $0x2  }
0xe3: {  	v62 =	vld [tilespmem:s28+$0x30];
	_ =	sdelay $0x1  }
0xe4: {  	v63 =	vshll.u32 v7, $0x3  }
0xe5: {  	v7 =	vand.u32 $0x7F, v7;
	v9 =	vand.u32 $0xFFFFFC00, v63  }
0xe6: {  	v7 =	vor.u32 v7, v9  }
0xe7: {  	v7 =	vadd.s32 v5, v7;
	_ =	sdelay $0x2  }
0xe8: {  	v8 =	vld.idx.msk [tilespmem:v62+s16+$0x0], $0xffff;
	_ =	sdelay $0x1  }
0xe9: {  	v7 =	vld.idx.msk [tilespmem:v7+s15+$0x0], $0xffff;
	_ =	sdelay $0x2  }
0xea: {  	s26 =	sadd.s32 $0x100, s26;
	v6 =	vadd.f32 v6, v8  }
0xeb: {  	p0 =	sne.s32 s26, $0x6400  }
.Ltmp0:
0xec: {  	v6 =	vsub.f32 v6, v7;
	(pc) =	sbr.rel @p0 .LBB2_2-.Ltmp0, $4  }
0xed: {  	_ = 	snop  }
0xee: {  	[tilespmem:$0x3600] =	vst v6  }
0xef: {  	[hbm4b:s12+s3] =	stream.linear.scatter [tilespmem:s15], [sflag:$0x2], $0x8000, $0x38;
	[tilespmem:$0x13680] =	vst v63  }
0xf0: {  	s13 =	sadd.s32 $0x2000, s13;
	s12 =	sadd.s32 $0x2000, s12  }
0xf1: {  	_ =	swait.ge [sflag:s20], $0x8000  }
0xf2: {  	[sflag:s20] =	ssyncset.done $0x0  }
0xf3: {  	[sflag:s20] =	ssyncadd.s32 $0xFFFF8000  }
0xf4: {  	s23 =	sadd.s32 $0x1, s23;
	_ =	swait.ge [sflag:s21], $0x8000  }
0xf5: {  	p0 =	sne.s32 s23, s11;
	[sflag:s21] =	ssyncset.done $0x0  }
.Ltmp1:
0xf6: {  	[sflag:s21] =	ssyncadd.s32 $0xFFFF8000;
	(pc) =	sbr.rel @p0 .LBB2_1-.Ltmp1, $4  }
0xf7: {  	[hbm4b:s10+s3] =	stream.linear.scatter [tilespmem:s22], [sflag:$0x5], $0x80, $0x38;
	[tilespmem:$0x13680] =	vst v63  }
0xf8: {  	_ =	swait.ge [sflag:s14], $0x80  }
0xf9: {  	[sflag:s14] =	ssyncset.done $0x0  }
0xfa: {  	[sflag:s14] =	ssyncadd.s32 $0xFFFFFF80  }
0xfb: {  	_ =	sfence.sel $0x180000  }
0xfc: {  	[bflag:$0x0] =	sbarrier.arrive $0xFFFF  }
0xfd: {  	_ =	strace $0x90000047  }
0xfe: {  	s0 =	stileid.u32;
	[bflag:$0x2] =	sbarrier.arrive $0xFFFF  }
0xff: {  	p0 =	sne.s32 s0, $0x0;
	s0 =	rddreg [dreg:$0x2]  }
0x100: {  	s0 =	sadd.s32 @!p0 $0x100000, s0  }
0x101: {  	[sflag:s0] =	ssyncadd.tile.s32 @!p0 $0x1;
	_ =	shalt  }
.Lfunc_end2:
_tile_overlayer_lowered:
.L_overlay_start_2:
0x102: {  	(tag) =	ssettag $0x2  }
0x103: {  	s0 =	rddreg [dreg:$0x0];
	s2 =	stileid.u32  }
0x104: {  	s1 =	rddreg [dreg:$0x1];
	p0 =	sne.s32 s2, $0x0  }
0x105: {  	s3 =	rddreg [dreg:$0x2];
	[bflag:$0x3] =	sbarrier.arrive $0xFFFF;
	s2 =	simm.s32 @!p0 $0x1C05  }
0x106: {  	[timem:s3], [sflag:s2] =	dma.local @!p0 [hbm:s0], s1  }
0x107: {  	s0 =	simm.s32 @!p0 $0x5  }
0x108: {  	_ =	swait.ge @!p0 [sflag:s0], s1  }
0x109: {  	s1 =	ssub.s32 @!p0 $0x0, s1;
	[sflag:s0] =	ssyncset.done @!p0 $0x0  }
0x10a: {  	[sflag:s0] =	ssyncadd.s32 @!p0 s1  }
0x10b: {  	[bflag:$0x3] =	sbarrier.arrive $0xFFFF  }
0x10c: {  	_ =	shalt  }

// kernel: sparse-core-data-format-call.cloned.1.call-start
scs
called_computation_lowered:
.L_overlay_start_0:
0x0: {  	s2 =	sld [smem:$0x3FD9]  }
0x1: {  	s3 =	sld [smem:$0x3FFE];
	_ =	sdelay $0x1  }
0x2: {  	s1 =	srdreg.scid  }
0x3: {  	s0 =	sand.u32 $0x1, s1  }
0x4: {  	s15 =	sshll.u32 s0, $0xA;
	s2 =	sadd.s32 s3, s2  }
0x5: {  	s2 =	sadd.s32 s2, s15  }
0x6: {  	[smem:$0x3FC5] =	sst s2  }
0x7: {  	_ = 	snop  }
0x8: {  	s2 =	sld [smem:$0x3FD0];
	_ =	sdelay $0x2  }
0x9: {  	s16 =	simm.s32 $0xA;
	s4 =	simm.s32 $0x10  }
0xa: {  	[smem:s4], [sflag:s16] =	dma.local [hbm:s2], $0x1  }
0xb: {  	_ =	swait.eq [sflag:s16], $0x1  }
0xc: {  	[sflag:s16] =	ssyncset.done $0x0  }
0xd: {  	[sflag:s16] =	ssyncadd.s32 $0xFFFFFFFF  }
0xe: {  	s17 =	sld [smem:$0x11];
	(tm) =	ssettm $0x1  }
0xf: {  	s18 =	sld [smem:$0x3FFB];
	_ =	sdelay $0x3  }
0x10: {  	_ =	strace s18  }
0x11: {  	s3 =	sld [smem:$0x3FFC];
	_ =	sdelay $0x3  }
0x12: {  	_ =	strace s3  }
0x13: {  	s3 =	sld [smem:$0x3FFD];
	_ =	sdelay $0x3  }
0x14: {  	_ =	strace s3  }
0x15: {  	_ =	strace $0x8FFFFFFF  }
0x16: {  	s19 =	sld [smem:$0x3FDB];
	_ =	sdelay $0x1  }
0x17: {  	s20 =	simm.s32 $_scs_section_size  }
0x18: {  	s5 =	simm.s32 $_size__tile_overlayer_lowered;
	s6 =	simm.s32 $_tile_overlayer_lowered  }
0x19: {  	s23 =	simm.s32 $0x1BFF;
	s22 =	sshll.u32 s6, $0x1;
	s3 =	sadd.s32 s20, s19  }
0x1a: {  	s7 =	simm.s32 $0x0;
	s21 =	sshll.u32 s5, $0x1;
	s5 =	sadd.s32 s22, s3  }
0x1b: {  	[timem:s7], [sflag:s23] =	dma.local [hbm:s5], s21  }
0x1c: {  	_ =	swait.ge [sflag:s23], s21  }
0x1d: {  	s4 =	ssub.s32 $0x0, s21;
	[sflag:s23] =	ssyncset.done $0x0  }
0x1e: {  	[sflag:s23] =	ssyncadd.s32 s4;
	_ =	sdelay $0x1  }
0x1f: {  	s24 =	simm.s32 $0x1B8B  }
0x20: {  	_ =	swait.ge [sflag:s24], $0x1  }
0x21: {  	[sflag:s24] =	ssyncset.done $0x0  }
0x22: {  	s26 =	simm.s32 $0x1B8E;
	s25 =	sld [smem:$0x3FFE];
	[sflag:s24] =	ssyncadd.s32 $0xFFFFFFFF  }
0x23: {  	s27 =	simm.s32 $execute0_lowered;
	[smem:$0x3FD2] =	sst s26  }
0x24: {  	s5 =	sshll.u32 s27, $0x1;
	_ =	strace $0x80000049;
	[dreg:$0x1] =	wrdreg $0xFFFFFFFF  }
0x25: {  	s28 =	simm.s32 $_size_execute0_lowered;
	s3 =	sadd.s32 s3, s5;
	[dreg:$0x0] =	wrdreg $0x0  }
0x26: {  	s5 =	sshll.u32 s28, $0x1;
	[dreg:$0x2] =	wrdreg s3  }
0x27: {  	[dreg:$0x3] =	wrdreg s5  }
0x28: {  	[dreg:$0x4] =	wrdreg $0xC0  }
0x29: {  	_ =	task [dreg:s7], $0x5FFFF  }
0x2a: {  	[dreg:$0x1] =	wrdreg $0xFFFFFFFF  }
0x2b: {  	[dreg:$0x0] =	wrdreg $0x60  }
0x2c: {  	[dreg:$0x2] =	wrdreg s25  }
0x2d: {  	[dreg:$0x3] =	wrdreg s17  }
0x2e: {  	[dreg:$0x4] =	wrdreg $0x9  }
0x2f: {  	_ =	task.clear_ibuf [dreg:s7], $0x5FFFF;
	_ =	strace $0x90000049  }
0x30: {  	s29 =	simm.s32 $0x9;
	_ =	strace $0x8000004B  }
0x31: {  	_ =	swait.ge [sflag:s29], $0x1  }
0x32: {  	[sflag:s29] =	ssyncadd.s32 $0xFFFFFFFF  }
0x33: {  	_ =	strace $0x9000004B  }
0x34: {  	_ =	sfence  }
0x35: {  	s30 =	sld [smem:$0x0];
	_ =	sdelay $0x2  }
0x36: {  	s31 =	sshll.u32 s1, $0xD;
	s1 =	sshrl.u32 s1, $0x2  }
0x37: {  	s3 =	sand.u32 $0x4000, s31;
	s1 =	sadd.s32 s1, s30  }
0x38: {  	s0 =	sor.u32 s3, s0;
	s1 =	sshll.u32 s1, $0x11  }
0x39: {  	s0 =	sor.u32 s1, s0  }
0x3a: {  	s0 =	sadd.s32 $0x8F2B, s0  }
0x3b: {  	[sflag:s0] =	ssyncadd.remote.s32 $0x1  }
0x3c: {  	_ =	sfence.sel $0xFFFF  }
0x3d: {  	[dreg:$0x0] =	wrdreg $0xFFFFFFFF;
	(pc) =	sbr.abs _section_cstart, $3  }
0x3e: {  	[dreg:$0x1] =	wrdreg $0xFFFFFFFF  }
0x3f: {  	_ =	task.clear_ibuf [dreg:s7], $0x2FFFF;
	_ =	strace $0x9FFFFFFF  }
0x40: {  	(tm) =	ssettm $0x7FFFFFFF  }
0x41: {  	_ =	shalt  }
tec
execute0_lowered:
.L_overlay_start_1:
0x0: {  	(tag) =	ssettag $0x1  }
0x1: {  	s0 =	srdreg.scid;
	s5 =	rddreg [dreg:$0x0]  }
0x2: {  	s3 =	rddreg [dreg:$0x1];
	s1 =	sshll.u32 s0, $0x4  }
0x3: {  	s7 =	simm.s32 $0x1;
	s0 =	stileid.u32;
	s1 =	sand.u32 $0x10, s1  }
0x4: {  	s8 =	simm.s32 $0x2;
	s15 =	simm.s32 $0x0;
	s1 =	sor.u32 s0, s1  }
0x5: {  	s14 =	simm.s32 $0x0;
	s9 =	simm.s32 $0x0;
	s2 =	sshll.u32 s1, $0x7  }
0x6: {  	s10 =	simm.s32 $0x0;
	s11 =	simm.s32 $0x0;
	s6 =	ssub.s32 $0x32000, s2  }
0x7: {  	s13 =	simm.s32 $0x0;
	s5 =	sadd.s32 $0xD800, s5;
	s4 =	sand.u32 $0xF80, s6  }
.Ltmp0:
0x8: {  	s1 =	rddreg [dreg:$0x2];
	p0 =	sne.s32 s4, $0x0;
	(pc) =	sbr.rel .LBB1_1-.Ltmp0, $4  }
0x9: {  	_ =	strace $0x8000004A;
	s6 =	sshrl.u32 s6, $0xC;
	s7 =	simm.s32 @!p0 $0x0  }
0xa: {  	s12 =	smov.u32 s2;
	s4 =	simm.s32 $0x1;
	s6 =	sadd.s32 s7, s6  }
0xb: {  	[sflag:s4] =	ssyncpa.u1 $0x0;
	p0 =	por $0x0, $0x0;
	s6 =	sshll.u32 s6, $0x3  }
0xc: {  	[sflag:s8] =	ssyncpa.u1 $0x0;
	s8 =	simm.s32 $0x190000;
	s7 =	sor.u32 $0x1, s6  }
.LBB1_4:
0xd: {  	s21 =	sshrl.u32 s9, $0x3;
	s22 =	sshll.u32 s10, $0x3  }
0xe: {  	s20 =	sshra.s32 s20, $0x2;
	s23 =	sshll.u32 s9, $0x7;
	s24 =	sand.u32 $0x7F, s10  }
0xf: {  	p1 =	sgt.s32 s9, $0x368;
	s28 =	sshra.s32 s9, $0x1F;
	s21 =	smul.u32 $0x190000, s21  }
0x10: {  	s29 =	sshra.s32 s10, $0x1F;
	s22 =	sand.u32 $0xFFFFFC00, s22;
	s25 =	sand.u32 $0x380, s23  }
0x11: {  	s19 =	sadd.s32 s20, s19;
	s26 =	sor.u32 s24, s25;
	s21 =	sadd.s32 s22, s21  }
0x12: {  	s27 =	smulhi.u32 $0x51EB851F, s21;
	s20 =	sor.u32 s21, s26;
	s21 =	smov.u32 s9  }
0x13: {  	v5 =	vld [tilespmem:s17+$0xFFFFFFD0];
	[tilespmem:s18+$0x2040 ss:$0x81] =	vst.msk $0xffff, v4;
	s23 =	sand.u32 s28, s9;
	s24 =	sand.u32 s29, s10;
	s21 =	simm.s32 @!p1 $0x368  }
0x14: {  	v58 =	vld [tilespmem:s17+$0xFFFFFFE0];
	[tilespmem:s18+$0x2850 ss:$0x81] =	vst.msk $0xffff, v3;
	p1 =	sgt.s32 s10, $0x31F80;
	s30 =	smulhi.u32 $0x51EB851F, s20;
	s22 =	sshrl.u32 s27, $0x10  }
0x15: {  	v59 =	vld [tilespmem:s17+$0xFFFFFFF0];
	[tilespmem:s18+$0x3060 ss:$0x81] =	vst.msk $0xffff, v2;
	s21 =	ssub.s32 s21, s23;
	s23 =	smov.u32 s10;
	s25 =	smul.u32 $0x8313, s22  }
0x16: {  	v60 =	vld [tilespmem:s17+$0x0];
	[tilespmem:s18+$0x0 ss:$0x81] =	vst.msk $0xffff, v0;
	s23 =	simm.s32 @!p1 $0x31F80;
	s31 =	sadd.s32 $0xFFFFFC98, s21;
	s18 =	sshrl.u32 s30, $0x10  }
0x17: {  	v61 =	vld [tilespmem:s17+$0x10];
	[tilespmem:s19+$0x3870 ss:$0x81] =	vst.msk $0xffff, v1;
	s23 =	ssub.s32 s23, s24;
	s28 =	smul.u32 $0x32000, s18;
	s25 =	sshrl.u32 s25, $0x19  }
0x18: {  	v62 =	vld [tilespmem:s17+$0x20];
	[tilespmem:s19+$0x810 ss:$0x81] =	vst.msk $0xffff, v5;
	p1 =	sgt.s32 s31, $0x7F;
	s26 =	sadd.s32 $0xFFFCE080, s23;
	s27 =	smul.u32 $0x3E8, s25  }
0x19: {  	v63 =	vld [tilespmem:s17+$0xFFFFFFC0];
	[tilespmem:s19+$0x1020 ss:$0x81] =	vst.msk $0xffff, v58;
	s18 =	ssub.s32 $0x3E8, s21;
	s21 =	ssub.s32 $0x32000, s23;
	p2 =	sgt.s32 s26, $0x7F  }
0x1a: {  	[tilespmem:s19+$0x1830 ss:$0x81] =	vst.msk $0xffff, v59;
	s18 =	simm.s32 @p1 $0x0;
	s21 =	simm.s32 @p2 $0x0;
	s22 =	ssub.s32 s22, s27  }
0x1b: {  	[tilespmem:s19+$0x2040 ss:$0x81] =	vst.msk $0xffff, v60;
	s17 =	ssub.s32 s20, s28;
	s18 =	smul.u32 s21, s18;
	s29 =	sand.u32 $0xFFFF, s22  }
0x1c: {  	[tilespmem:s19+$0x2850 ss:$0x81] =	vst.msk $0xffff, v61;
	s30 =	sshrl.u32 s17, $0x3;
	s17 =	sand.u32 $0x7, s17;
	s20 =	smul.u32 $0x6400, s29  }
0x1d: {  	[tilespmem:s19+$0x3060 ss:$0x81] =	vst.msk $0xffff, v62;
	s21 =	sadd.s32 s3, s30;
	s17 =	sshll.u32 s17, $0x12  }
0x1e: {  	[tilespmem:s19+$0x0 ss:$0x81] =	vst.msk $0xffff, v63;
	s17 =	sor.u32 $0x400, s17;
	s18 =	sand.u32 $0x3FFFFFFF, s18;
	s31 =	sadd.s32 s20, s21  }
0x1f: {  	[hbm4b:s31+s17] =	stream.strided.scatter [tilespmem:s16], [sflag:$0x2], s18, s8, s17, $0x20;
	[tilespmem:$0x10100] =	vst v63  }
.LBB1_5:
0x20: {  	p1 =	slt.u32 s13, $0x2  }
0x21: {  	s17 =	smov.u32 s15;
	p2 =	sgt.s32 @!p1 s15, $0x368;
	s16 =	sshra.s32 @!p1 s15, $0x1F  }
0x22: {  	p3 =	sgt.s32 @!p1 s14, $0x31F80;
	s18 =	sshra.s32 @!p1 s14, $0x1F;
	p2 =	por !p2, p1  }
0x23: {  	s15 =	sand.u32 @!p1 s16, s15;
	p3 =	por !p3, p1;
	s16 =	smov.u32 s14  }
0x24: {  	s14 =	sand.u32 @!p1 s18, s14;
	s17 =	simm.s32 @p2 $0x368;
	s16 =	simm.s32 @p3 $0x31F80  }
0x25: {  	s15 =	ssub.s32 @!p1 s17, s15;
	s14 =	ssub.s32 @!p1 s16, s14  }
0x26: {  	s18 =	smov.u32 s12;
	s16 =	sadd.s32 @!p1 $0xFFFFFC98, s15;
	s17 =	sadd.s32 @!p1 $0xFFFCE080, s14  }
0x27: {  	s15 =	ssub.s32 @!p1 $0x3E8, s15;
	p2 =	sgt.s32 @!p1 s16, $0x7F;
	p3 =	sgt.s32 @!p1 s17, $0x7F  }
0x28: {  	s14 =	ssub.s32 @!p1 $0x32000, s14;
	p2 =	por !p2, p1;
	p3 =	por !p3, p1  }
0x29: {  	s16 =	sadd.s32 $0x80, s11;
	s15 =	simm.s32 @!p2 $0x0;
	s14 =	simm.s32 @!p3 $0x0  }
0x2a: {  	p2 =	sgt.s32 s16, $0x3E7;
	s14 =	smul.u32 @!p1 s14, s15;
	s15 =	sadd.s32 $0x1000, s12  }
0x2b: {  	s18 =	smov.u32 @p2 s15  }
0x2c: {  	s16 =	simm.s32 @p2 $0x0;
	p2 =	sgt.s32 s18, $0x31FFF  }
0x2d: {  	s18 =	smov.u32 @p2 s2;
	p2 =	sne.s32 s13, s7  }
.Ltmp1:
0x2e: {  	p0 =	por !p0, !p0;
	s17 =	simm.s32 @!p1 $0x2;
	(pc) =	sbr.rel @!p2 .LBB1_6-.Ltmp1, $4  }
0x2f: {  	s15 =	smov.u32 s9;
	s9 =	smov.u32 s11;
	s14 =	sand.u32 @!p1 $0x3FFFFFFF, s14  }
0x30: {  	s11 =	smov.u32 s16;
	_ =	swait.ge @!p1 [sflag:s17], s14;
	s19 =	ssub.s32 @!p1 $0x0, s14  }
0x31: {  	s14 =	smov.u32 s10;
	s13 =	sadd.s32 $0x1, s13;
	[sflag:s17] =	ssyncset.done @!p1 $0x0  }
0x32: {  	s10 =	smov.u32 s12;
	s12 =	smov.u32 s18;
	[sflag:s17] =	ssyncadd.s32 @!p1 s19  }
.LBB1_1:
0x33: {  	p1 =	sge.u32 s13, s6  }
0x34: {  	s16 =	sshll.u32 @!p1 s12, $0xA  }
0x35: {  	s17 =	sshll.u32 @!p1 s11, $0x3;
	s16 =	sand.u32 @!p1 $0xFFFFE000, s16  }
0x36: {  	s16 =	sadd.s32 @!p1 s16, s17  }
0x37: {  	s16 =	sshrl.u32 @!p1 s16, $0xA  }
0x38: {  	s17 =	smulhi.u32 @!p1 $0x28F5C3, s16  }
0x39: {  	s18 =	sxor.u32 @!p1 $0xFFFFFFFF, s13  }
0x3a: {  	s19 =	sshll.u32 @!p1 s12, $0x7;
	s20 =	sand.u32 @!p1 $0x78, s11;
	s17 =	sshrl.u32 @!p1 s17, $0x7  }
0x3b: {  	s18 =	sshll.u32 @!p1 s18, $0xE;
	s19 =	sand.u32 @!p1 $0x380, s19;
	s17 =	smul.u32 @!p1 $0x32000, s17  }
0x3c: {  	s31 =	sadd.s32 $0xFFFFFFFF, s13;
	s19 =	sor.u32 @!p1 s20, s19;
	s18 =	sand.u32 @!p1 $0x4000, s18  }
0x3d: {  	s16 =	ssub.s32 @!p1 s16, s17;
	s17 =	sshrl.u32 @!p1 s19, $0x3;
	s19 =	sand.u32 @!p1 $0x7, s11  }
0x3e: {  	s16 =	sshll.u32 @!p1 s16, $0x7;
	s17 =	sadd.s32 @!p1 s5, s17;
	s19 =	sshll.u32 @!p1 s19, $0x12  }
0x3f: {  	s16 =	sadd.s32 @!p1 s16, s17;
	s17 =	sor.u32 @!p1 $0x400, s19;
	s19 =	simm.s32 @!p1 $0x2000  }
0x40: {  	[tilespmem:s18], [sflag:$0x1] =	stream.strided.gather @!p1 [hbm4b:s16+s17], $0x4000, s19, s17, $0x38;
	[tilespmem:$0x10100] =	vst v63  }
0x41: {  	p1 =	sge.u32 s31, s6  }
.Ltmp2:
0x42: {  	_ = 	snop;
	(pc) =	sbr.rel @p1 .LBB1_5-.Ltmp2, $1  }
0x43: {  	_ =	sdelay $0x3  }
0x44: {  	s16 =	simm.s32 $0x1  }
0x45: {  	_ =	swait.ge [sflag:s4], $0x4000;
	s16 =	simm.s32 @!p0 $0x0  }
0x46: {  	[sflag:s4] =	ssyncset.done $0x0;
	s17 =	sshll.u32 s16, $0xE  }
0x47: {  	[sflag:s4] =	ssyncadd.s32 $0xFFFFC000;
	s17 =	sor.u32 $0x40, s17  }
0x48: {  	s16 =	smul.u32 $0x10200, s16;
	v0 =	vld [tilespmem:s17+$0x30]  }
0x49: {  	v1 =	vld [tilespmem:s17+$0xFFFFFFD0]  }
0x4a: {  	s16 =	sshrl.u32 s16, $0x2;
	v5 =	vld [tilespmem:s17+$0xFFFFFFE0]  }
0x4b: {  	v6 =	vld [tilespmem:s17+$0xFFFFFFF0];
	s19 =	sor.u32 $0x8000, s16  }
0x4c: {  	s31 =	sand.u32 $0x1, s13;
	v4 =	vld [tilespmem:s17+$0x0];
	s18 =	sadd.s32 $0x0, s19  }
0x4d: {  	v3 =	vld [tilespmem:s17+$0x10];
	s16 =	smul.u32 $0x10200, s31;
	[tilespmem:s18+$0x3870 ss:$0x81] =	vst.msk $0xffff, v0  }
0x4e: {  	v2 =	vld [tilespmem:s17+$0x20];
	[tilespmem:s18+$0x810 ss:$0x81] =	vst.msk $0xffff, v1  }
0x4f: {  	s16 =	sshrl.u32 s16, $0x2;
	v0 =	vld [tilespmem:s17+$0xFFFFFFC0];
	[tilespmem:s18+$0x1020 ss:$0x81] =	vst.msk $0xffff, v5;
	s17 =	sadd.s32 $0x80, s17  }
0x50: {  	s20 =	simm.s32 $0x4;
	s21 =	simm.s32 $0x8;
	s16 =	sor.u32 $0x8000, s16;
	[tilespmem:s18+$0x1830 ss:$0x81] =	vst.msk $0xffff, v6;
	v1 =	vld [tilespmem:s17+$0x30]  }
.LBB1_3:
0x51: {  	p1 =	sne.s32 s21, $0x1FC;
	v5 =	vld [tilespmem:s17+$0xFFFFFFD0];
	[tilespmem:s18+$0x2040 ss:$0x81] =	vst.msk $0xffff, v4  }
0x52: {  	v6 =	vld [tilespmem:s17+$0xFFFFFFE0];
	[tilespmem:s18+$0x2850 ss:$0x81] =	vst.msk $0xffff, v3  }
0x53: {  	s22 =	sshra.s32 s20, $0x2;
	s20 =	smov.u32 s21;
	v7 =	vld [tilespmem:s17+$0xFFFFFFF0];
	[tilespmem:s18+$0x3060 ss:$0x81] =	vst.msk $0xffff, v2  }
.Ltmp3:
0x54: {  	v4 =	vld [tilespmem:s17+$0x0];
	[tilespmem:s18+$0x0 ss:$0x81] =	vst.msk $0xffff, v0;
	s18 =	sadd.s32 s22, s19;
	(pc) =	sbr.rel @p1 .LBB1_3-.Ltmp3, $4  }
0x55: {  	v3 =	vld [tilespmem:s17+$0x10];
	[tilespmem:s18+$0x3870 ss:$0x81] =	vst.msk $0xffff, v1  }
0x56: {  	[tilespmem:s18+$0x810 ss:$0x81] =	vst.msk $0xffff, v5;
	v2 =	vld [tilespmem:s17+$0x20]  }
0x57: {  	v0 =	vld [tilespmem:s17+$0xFFFFFFC0];
	[tilespmem:s18+$0x1020 ss:$0x81] =	vst.msk $0xffff, v6;
	s17 =	sadd.s32 $0x80, s17  }
0x58: {  	s21 =	sadd.s32 $0x4, s21;
	v1 =	vld [tilespmem:s17+$0x30];
	[tilespmem:s18+$0x1830 ss:$0x81] =	vst.msk $0xffff, v7  }
.Ltmp4:
0x59: {  	_ = 	snop;
	(pc) =	sbr.rel .LBB1_4-.Ltmp4, $1  }
0x5a: {  	_ =	sdelay $0x3  }
.LBB1_6:
0x5b: {  	_ =	sfence.sel $0x180000  }
0x5c: {  	s2 =	simm.s32 $0x1;
	[bflag:$0x0] =	sbarrier.arrive $0xFFFF  }
0x5d: {  	s31 =	simm.s32 $0x2;
	[sflag:s2] =	ssyncpa.u1 $0x1  }
0x5e: {  	[sflag:s31] =	ssyncpa.u1 $0x1  }
0x5f: {  	p0 =	sne.s32 s0, $0x0;
	_ =	strace $0x9000004A  }
0x60: {  	s0 =	sadd.s32 @!p0 $0x100000, s1;
	[bflag:$0x2] =	sbarrier.arrive $0xFFFF  }
0x61: {  	[sflag:s0] =	ssyncadd.tile.s32 @!p0 $0x1;
	_ =	shalt  }
.Lfunc_end1:
_tile_overlayer_lowered:
.L_overlay_start_2:
0x62: {  	(tag) =	ssettag $0x2  }
0x63: {  	s0 =	rddreg [dreg:$0x0];
	s2 =	stileid.u32  }
0x64: {  	s1 =	rddreg [dreg:$0x1];
	p0 =	sne.s32 s2, $0x0  }
0x65: {  	s3 =	rddreg [dreg:$0x2];
	[bflag:$0x3] =	sbarrier.arrive $0xFFFF;
	s2 =	simm.s32 @!p0 $0x1C01  }
0x66: {  	[timem:s3], [sflag:s2] =	dma.local @!p0 [hbm:s0], s1  }
0x67: {  	s0 =	simm.s32 @!p0 $0x1  }
0x68: {  	_ =	swait.ge @!p0 [sflag:s0], s1  }
0x69: {  	s1 =	ssub.s32 @!p0 $0x0, s1;
	[sflag:s0] =	ssyncset.done @!p0 $0x0  }
0x6a: {  	[sflag:s0] =	ssyncadd.s32 @!p0 s1  }
0x6b: {  	[bflag:$0x3] =	sbarrier.arrive $0xFFFF  }
0x6c: {  	_ =	shalt  }

</sc_bundles>
